<compile_context>
chip_gen: v7x
topology: tpu7x:2x2x1
jax: 0.10.2.dev20260603
libtpu: 0.0.44.dev20260713+nightly
codegen_flags: <defaults>
</compile_context>

<pallas_src>
import functools

import jax
import jax.numpy as jnp
from jax import lax
from jax.experimental import pallas as pl
from jax.experimental.pallas import tpu as pltpu
from jax.experimental.pallas import tpu_sc as plsc

_CHUNK = 128
_NCORES = 2
_NSUB = 16
_NW = _NCORES * _NSUB
_LANES = 16


def _sc_mesh():
    return plsc.VectorSubcoreMesh(core_axis_name="c", subcore_axis_name="s")


def _sc_hist(dst2d, n_pad):
    nchunks = dst2d.shape[0]
    cpw = nchunks // _NW
    sl = n_pad // _NSUB

    @functools.partial(
        pl.kernel,
        out_type=jax.ShapeDtypeStruct((_NCORES, n_pad, _LANES), jnp.float32),
        mesh=_sc_mesh(),
        scratch_types=[
            pltpu.VMEM_SHARED((n_pad, _LANES), jnp.float32),
            pltpu.VMEM((_CHUNK,), jnp.int32),
            pltpu.VMEM((_CHUNK,), jnp.int32),
            pltpu.VMEM((_CHUNK, _LANES), jnp.float32),
            pltpu.VMEM((_CHUNK, _LANES), jnp.float32),
            pltpu.SemaphoreType.DMA,
            pltpu.SemaphoreType.DMA,
        ],
    )
    def hist_kernel(dst_hbm, out_hbm, acc, idx_v, idx_w, ones_v, zero_v,
                    s0, s1):
        c = lax.axis_index("c")
        s = lax.axis_index("s")
        w = s * _NCORES + c

        @pl.loop(0, _CHUNK)
        def _(r):
            ones_v[r, :] = jnp.ones((_LANES,), jnp.float32)
            zero_v[r, :] = jnp.zeros((_LANES,), jnp.float32)

        @pl.loop(0, sl // _CHUNK)
        def _(b):
            pltpu.sync_copy(zero_v, acc.at[pl.ds(s * sl + b * _CHUNK, _CHUNK)])

        plsc.subcore_barrier()

        def load_idx(k, buf, sem):
            pltpu.async_copy(dst_hbm.at[w * cpw + k], buf, sem)

        def wait_idx(k, buf, sem):
            pltpu.make_async_copy(dst_hbm.at[w * cpw + k], buf, sem).wait()

        def load_idx(k, buf, sem):
            pltpu.async_copy(dst_hbm.at[w * cpw + k], buf, sem)

        def wait_idx(k, buf, sem):
            pltpu.make_async_copy(dst_hbm.at[w * cpw + k], buf, sem).wait()

        load_idx(0, idx_v, s0)
        load_idx(1, idx_w, s1)

        @pl.loop(0, cpw - 2, step=2)
        def _(k):
            wait_idx(k, idx_v, s0)
            pltpu.sync_copy(ones_v, acc.at[idx_v], add=True)
            load_idx(k + 2, idx_v, s0)
            wait_idx(k + 1, idx_w, s1)
            pltpu.sync_copy(ones_v, acc.at[idx_w], add=True)
            load_idx(k + 3, idx_w, s1)

        wait_idx(cpw - 2, idx_v, s0)
        pltpu.sync_copy(ones_v, acc.at[idx_v], add=True)
        wait_idx(cpw - 1, idx_w, s1)
        pltpu.sync_copy(ones_v, acc.at[idx_w], add=True)

        plsc.subcore_barrier()

        @pl.loop(0, sl // _CHUNK)
        def _(b):
            r0 = s * sl + b * _CHUNK
            pltpu.sync_copy(acc.at[pl.ds(r0, _CHUNK)],
                            out_hbm.at[c, pl.ds(r0, _CHUNK)])

    return hist_kernel(dst2d)


def _sc_agg(y_pad, src2d, dst2d):
    n_pad, d = y_pad.shape
    nchunks = src2d.shape[0]
    cpw = nchunks // _NW
    sl = n_pad // _NSUB
    nbuf = 2
    gdist = nbuf - 1
    assert cpw % nbuf == 0 and cpw >= 2 * nbuf

    @functools.partial(
        pl.kernel,
        out_type=jax.ShapeDtypeStruct((_NCORES, n_pad, d), jnp.float32),
        mesh=_sc_mesh(),
        compiler_params=pltpu.CompilerParams(use_tc_tiling_on_sc=False),
        scratch_types=[
            pltpu.VMEM_SHARED((n_pad, d), jnp.float32),
            [pltpu.VMEM((_CHUNK,), jnp.int32)] * nbuf,
            [pltpu.VMEM((_CHUNK,), jnp.int32)] * nbuf,
            [pltpu.VMEM((_CHUNK, d), jnp.float32)] * nbuf,
            pltpu.VMEM((_LANES, d), jnp.float32),
            [pltpu.SemaphoreType.DMA] * nbuf,
            [pltpu.SemaphoreType.DMA] * nbuf,
        ],
    )
    def agg_kernel(y_hbm, src_hbm, dst_hbm, out_hbm, acc,
                   si, di, rows, zero_v, gsem, isem):
        c = lax.axis_index("c")
        s = lax.axis_index("s")
        w = s * _NCORES + c
        first = w * cpw

        @pl.loop(0, _LANES)
        def _(r):
            @pl.loop(0, d // _LANES)
            def _(q):
                zero_v[r, pl.ds(q * _LANES, _LANES)] = jnp.zeros(
                    (_LANES,), jnp.float32)

        @pl.loop(0, sl // _LANES)
        def _(b):
            pltpu.sync_copy(zero_v, acc.at[pl.ds(s * sl + b * _LANES, _LANES)])

        plsc.subcore_barrier()

        def start_idx(k, b):
            pltpu.async_copy(src_hbm.at[first + k], si[b], isem[b])
            pltpu.async_copy(dst_hbm.at[first + k], di[b], isem[b])

        def wait_idx(k, b):
            pltpu.make_async_copy(src_hbm.at[first + k], si[b], isem[b]).wait()
            pltpu.make_async_copy(dst_hbm.at[first + k], di[b], isem[b]).wait()

        def start_gather(b):
            pltpu.async_copy(y_hbm.at[si[b]], rows[b], gsem[b])

        def wait_gather(b):
            pltpu.make_async_copy(y_hbm.at[si[b]], rows[b], gsem[b]).wait()

        def body(k, a, b):
            wait_gather(a)
            wait_idx(k + 1, b)
            start_gather(b)
            pltpu.sync_copy(rows[a], acc.at[di[a]], add=True)
            start_idx(k + 2, a)

        pltpu.sync_copy(src_hbm.at[first], si[0])
        pltpu.sync_copy(dst_hbm.at[first], di[0])
        start_gather(0)
        start_idx(1, 1)

        @pl.loop(0, cpw - 2, step=2)
        def _(k):
            body(k, 0, 1)
            body(k + 1, 1, 0)

        wait_gather(0)
        wait_idx(cpw - 1, 1)
        start_gather(1)
        pltpu.sync_copy(rows[0], acc.at[di[0]], add=True)
        wait_gather(1)
        pltpu.sync_copy(rows[1], acc.at[di[1]], add=True)

        plsc.subcore_barrier()

        @pl.loop(0, sl // _CHUNK)
        def _(b):
            r0 = s * sl + b * _CHUNK
            pltpu.sync_copy(acc.at[pl.ds(r0, _CHUNK)],
                            out_hbm.at[c, pl.ds(r0, _CHUNK)])

    return agg_kernel(y_pad, src2d, dst2d)


_BR = 1024


def _tc_mm_scale(x_pad, w, hist, n):
    n_pad, din = x_pad.shape
    dout = w.shape[1]

    def body(x_ref, w_ref, h_ref, y_ref, di_ref):
        i = pl.program_id(0)
        deg = h_ref[0, :, 0:1] + h_ref[1, :, 0:1] + 1.0
        rid = lax.broadcasted_iota(jnp.int32, (_BR, 1), 0) + i * _BR
        dinv = jnp.where(rid < n, lax.rsqrt(deg), 0.0)
        di_ref[...] = dinv
        xw = jnp.dot(x_ref[...], w_ref[...],
                     preferred_element_type=jnp.float32,
                     precision=lax.Precision.HIGHEST)
        y_ref[...] = xw * dinv

    return pl.pallas_call(
        body,
        grid=(n_pad // _BR,),
        in_specs=[pl.BlockSpec((_BR, din), lambda i: (i, 0)),
                  pl.BlockSpec((din, dout), lambda i: (0, 0)),
                  pl.BlockSpec((_NCORES, _BR, _LANES), lambda i: (0, i, 0))],
        out_specs=[pl.BlockSpec((_BR, dout), lambda i: (i, 0)),
                   pl.BlockSpec((_BR, 1), lambda i: (i, 0))],
        out_shape=[jax.ShapeDtypeStruct((n_pad, dout), jnp.float32),
                   jax.ShapeDtypeStruct((n_pad, 1), jnp.float32)],
    )(x_pad, w, hist)


def _tc_combine(parts, y, dinv, b, w2):
    n_pad, d = y.shape
    dout = w2.shape[1]

    def body(p_ref, y_ref, di_ref, b_ref, w_ref, o_ref):
        di = di_ref[...]
        h = jnp.maximum(di * (p_ref[0] + p_ref[1] + y_ref[...]) + b_ref[...],
                        0.0)
        o_ref[...] = di * jnp.dot(h, w_ref[...],
                                  preferred_element_type=jnp.float32,
                                  precision=lax.Precision.HIGHEST)

    return pl.pallas_call(
        body,
        grid=(n_pad // _BR,),
        in_specs=[pl.BlockSpec((_NCORES, _BR, d), lambda i: (0, i, 0)),
                  pl.BlockSpec((_BR, d), lambda i: (i, 0)),
                  pl.BlockSpec((_BR, 1), lambda i: (i, 0)),
                  pl.BlockSpec((1, d), lambda i: (0, 0)),
                  pl.BlockSpec((d, dout), lambda i: (0, 0))],
        out_specs=pl.BlockSpec((_BR, dout), lambda i: (i, 0)),
        out_shape=jax.ShapeDtypeStruct((n_pad, dout), jnp.float32),
    )(parts, y, dinv, b, w2)


def _tc_final(parts, y, dinv, b, n):
    n_pad, d = y.shape
    br = 2000
    assert n % br == 0

    def body(p_ref, y_ref, di_ref, b_ref, o_ref):
        o_ref[...] = (di_ref[...] * (p_ref[0] + p_ref[1] + y_ref[...])
                      + b_ref[...])

    return pl.pallas_call(
        body,
        grid=(n // br,),
        in_specs=[pl.BlockSpec((_NCORES, br, d), lambda i: (0, i, 0)),
                  pl.BlockSpec((br, d), lambda i: (i, 0)),
                  pl.BlockSpec((br, 1), lambda i: (i, 0)),
                  pl.BlockSpec((1, d), lambda i: (0, 0))],
        out_specs=pl.BlockSpec((br, d), lambda i: (i, 0)),
        out_shape=jax.ShapeDtypeStruct((n, d), jnp.float32),
    )(parts, y, dinv, b)


def kernel(x, edge_index, W1, b1, W2, b2):
    n, din = x.shape
    e = edge_index.shape[1]

    n_pad = ((n + _NSUB * _CHUNK - 1) // (_NSUB * _CHUNK)) * (_NSUB * _CHUNK)
    step = _NW * _CHUNK * 2
    e_pad = ((e + step - 1) // step) * step

    src = edge_index[0].astype(jnp.int32)
    dst = edge_index[1].astype(jnp.int32)
    spare = n_pad - n
    fill = n + jnp.arange(e_pad - e, dtype=jnp.int32) % spare
    src2d = jnp.concatenate([src, fill]).reshape(-1, _CHUNK)
    dst2d = jnp.concatenate([dst, fill]).reshape(-1, _CHUNK)
    x_pad = jnp.pad(x, ((0, n_pad - n), (0, 0)))
    b1r = b1.reshape(1, -1)
    b2r = b2.reshape(1, -1)

    hist = _sc_hist(dst2d, n_pad)
    y1, dinv = _tc_mm_scale(x_pad, W1, hist, n)
    parts1 = _sc_agg(y1, src2d, dst2d)
    y2 = _tc_combine(parts1, y1, dinv, b1r, W2)
    parts2 = _sc_agg(y2, src2d, dst2d)
    return _tc_final(parts2, y2, dinv, b2r, n)

# --- scband reference (transcript-rebuilt; emitter-appended) ---
"""Pipeline reference for scband-graph-autoencoder-73203422593436 (READ-ONLY COPY).

The authoritative reference and input builder live on the scoring server;
editing this copy changes nothing except your own understanding.
"""

import jax, jax.numpy as jnp
import numpy as np

N_NODES = 10000
N_EDGES = 320000
D_IN = 128
D_HID = 64
D_OUT = 128


def _gcn_conv(x, src, dst, W, b, n):
    # GCNConv: out = D^{-1/2} (A + I) D^{-1/2} X W + b  (with self-loops added)
    xw = x @ W
    loop = jnp.arange(n, dtype=src.dtype)
    src_a = jnp.concatenate([src, loop])
    dst_a = jnp.concatenate([dst, loop])
    ones = jnp.ones(src_a.shape[0], dtype=x.dtype)
    deg = jnp.zeros((n,), dtype=x.dtype).at[dst_a].add(ones)
    dinv = jnp.where(deg > 0, deg ** -0.5, 0.0)
    norm = dinv[src_a] * dinv[dst_a]
    msgs = xw[src_a] * norm[:, None]
    out = jnp.zeros((n, W.shape[1]), dtype=x.dtype).at[dst_a].add(msgs)
    return out + b


def setup_inputs(seed: int = 0) -> dict:
    key = jax.random.key(seed)
    k1, k2, k3, k4 = jax.random.split(key, 4)
    x = jax.random.normal(k1, (N_NODES, D_IN), dtype=jnp.float32)
    edge_index = jax.random.randint(k2, (2, N_EDGES), 0, N_NODES).astype(jnp.int64)
    W1 = jax.random.normal(k3, (D_IN, D_HID), dtype=jnp.float32) * (1.0 / np.sqrt(D_IN))
    b1 = jnp.zeros((D_HID,), dtype=jnp.float32)
    W2 = jax.random.normal(k4, (D_HID, D_OUT), dtype=jnp.float32) * (1.0 / np.sqrt(D_HID))
    b2 = jnp.zeros((D_OUT,), dtype=jnp.float32)
    return {"x": x, "edge_index": edge_index, "W1": W1, "b1": b1, "W2": W2, "b2": b2}


def reference(x, edge_index, W1, b1, W2, b2):
    n = x.shape[0]
    src = edge_index[0]
    dst = edge_index[1]
    h = _gcn_conv(x, src, dst, W1, b1, n)
    h = jax.nn.relu(h)
    out = _gcn_conv(h, src, dst, W2, b2, n)
    return out

if __name__ == "__main__":
    import jax
    _d = setup_inputs()
    print(jax.jit(kernel)(*tuple(_d.values())))

</pallas_src>

<mosaic_0001>
#map = affine_map<(d0, d1) -> (0, 0)>
#map1 = affine_map<(d0, d1) -> (0, 0, 0)>
module attributes {stable_mosaic.version = 14 : i64} {
  func.func @agg_kernel(%arg0: i32, %arg1: i32, %arg2: memref<10240x64xf32, #tpu.memory_space<hbm>>, %arg3: memref<2560x128xi32, #tpu.memory_space<hbm>>, %arg4: memref<2560x128xi32, #tpu.memory_space<hbm>>, %arg5: memref<2x10240x64xf32, #tpu.memory_space<hbm>>, %arg6: memref<10240x64xf32, #tpu.memory_space<vmem_shared>>, %arg7: memref<128xi32, #tpu.memory_space<vmem>>, %arg8: memref<128xi32, #tpu.memory_space<vmem>>, %arg9: memref<128xi32, #tpu.memory_space<vmem>>, %arg10: memref<128xi32, #tpu.memory_space<vmem>>, %arg11: memref<128x64xf32, #tpu.memory_space<vmem>>, %arg12: memref<128x64xf32, #tpu.memory_space<vmem>>, %arg13: memref<16x64xf32, #tpu.memory_space<vmem>>, %arg14: memref<!tpu.dma_semaphore, #tpu.memory_space<semaphore_mem>>, %arg15: memref<!tpu.dma_semaphore, #tpu.memory_space<semaphore_mem>>, %arg16: memref<!tpu.dma_semaphore, #tpu.memory_space<semaphore_mem>>, %arg17: memref<!tpu.dma_semaphore, #tpu.memory_space<semaphore_mem>>) attributes {dimension_semantics = [#tpu.dimension_semantics<core_parallel>, #tpu.dimension_semantics<subcore_parallel>], iteration_bounds = array<i64: 2, 16>, scalar_prefetch = 0 : i64, scratch_operands = 12 : i64, tpu.core_type = #tpu.core_type<sc_vector_subcore>, window_params = [{transform_indices = #map}, {transform_indices = #map}, {transform_indices = #map}, {transform_indices = #map1}]} {
    %mul3A = arith.constant 2 : i32
    %mul3A_0 = arith.muli %arg1, %mul3A : i32
    %add3A = arith.addi %mul3A_0, %arg0 : i32
    %mul3A_1 = arith.constant 80 : i32
    %mul3A_2 = arith.muli %add3A, %mul3A_1 : i32
    %scan3A = arith.constant 0 : i32
    %scan3A_3 = arith.constant 16 : i32
    %scan3A_4 = arith.addi %scan3A, %scan3A_3 : i32
    %scan3A_5 = arith.constant 1 : i32
    scf.for %scan3A_65 = %scan3A to %scan3A_4 step %scan3A_5  : i32 {
      %mul3A_66 = arith.constant 1 : i32
      %mul3A_67 = arith.muli %scan3A_65, %mul3A_66 : i32
      %add3A_68 = arith.constant 0 : i32
      %add3A_69 = arith.addi %add3A_68, %mul3A_67 : i32
      %scan3A_70 = arith.constant 0 : i32
      %scan3A_71 = arith.constant 4 : i32
      %scan3A_72 = arith.addi %scan3A_70, %scan3A_71 : i32
      %scan3A_73 = arith.constant 1 : i32
      scf.for %scan3A_75 = %scan3A_70 to %scan3A_72 step %scan3A_73  : i32 {
        %mul3A_76 = arith.constant 1 : i32
        %mul3A_77 = arith.muli %scan3A_75, %mul3A_76 : i32
        %add3A_78 = arith.constant 0 : i32
        %add3A_79 = arith.addi %add3A_78, %mul3A_77 : i32
        %broadcast_in_dim3A = arith.constant 0.000000e+00 : f32
        %broadcast_in_dim3A_80 = vector.broadcast %broadcast_in_dim3A : f32 to vector<16xf32>
        %mul3A_81 = arith.constant 16 : i32
        %mul3A_82 = arith.muli %add3A_79, %mul3A_81 : i32
        %swap3A = arith.index_cast %add3A_69 : i32 to index
        %swap3A_83 = arith.index_cast %mul3A_82 : i32 to index
        %swap3A_84 = tpu.vector_load %arg13[%swap3A, %swap3A_83] {strides = array<i32>} : memref<16x64xf32, #tpu.memory_space<vmem>>, vector<1x16xf32>,
        %swap3A_85 = vector.shape_cast %swap3A_84 : vector<1x16xf32> to vector<16xf32>
        %swap3A_86 = vector.shape_cast %broadcast_in_dim3A_80 : vector<16xf32> to vector<1x16xf32>
        tpu.vector_store %arg13[%swap3A, %swap3A_83], %swap3A_86 {strides = array<i32>} : memref<16x64xf32, #tpu.memory_space<vmem>>, vector<1x16xf32>,
      }
      %scan3A_74 = arith.constant 4 : i32
    }
    %scan3A_6 = arith.constant 16 : i32
    %scan3A_7 = arith.constant 0 : i32
    %scan3A_8 = arith.constant 40 : i32
    %scan3A_9 = arith.addi %scan3A_7, %scan3A_8 : i32
    %scan3A_10 = arith.constant 1 : i32
    scf.for %scan3A_65 = %scan3A_7 to %scan3A_9 step %scan3A_10  : i32 {
      %mul3A_66 = arith.constant 1 : i32
      %mul3A_67 = arith.muli %scan3A_65, %mul3A_66 : i32
      %add3A_68 = arith.constant 0 : i32
      %add3A_69 = arith.addi %add3A_68, %mul3A_67 : i32
      %mul3A_70 = arith.constant 640 : i32
      %mul3A_71 = arith.muli %arg1, %mul3A_70 : i32
      %mul3A_72 = arith.constant 16 : i32
      %mul3A_73 = arith.muli %add3A_69, %mul3A_72 : i32
      %add3A_74 = arith.addi %mul3A_71, %mul3A_73 : i32
      "tpu.region"() ({
        %run_scoped3A = tpu.sem_alloc : memref<!tpu.dma_semaphore, #tpu.memory_space<semaphore_mem>>
        %dma_start3A_75 = arith.constant 0 : i32
        %dma_start3A_76 = tpu.memref_slice %arg6[%add3A_74, %dma_start3A_75] : memref<10240x64xf32, #tpu.memory_space<vmem_shared>> -> memref<16x64xf32, #tpu.memory_space<vmem_shared>>
        %dma_start3A_77 = arith.constant 0 : i32
        %dma_start3A_78 = tpu.memref_slice %arg6[%add3A_74, %dma_start3A_77] : memref<10240x64xf32, #tpu.memory_space<vmem_shared>> -> memref<16x64xf32, #tpu.memory_space<vmem_shared>>
        tpu.enqueue_dma source(%arg13 : memref<16x64xf32, #tpu.memory_space<vmem>>) target(%dma_start3A_78 : memref<16x64xf32, #tpu.memory_space<vmem_shared>>) target_semaphore(%run_scoped3A : memref<!tpu.dma_semaphore, #tpu.memory_space<semaphore_mem>>)
        %dma_wait3A_79 = arith.constant 0 : i32
        %dma_wait3A_80 = tpu.memref_slice %arg6[%add3A_74, %dma_wait3A_79] : memref<10240x64xf32, #tpu.memory_space<vmem_shared>> -> memref<16x64xf32, #tpu.memory_space<vmem_shared>>
        %dma_wait3A_81 = arith.constant 0 : i32
        %dma_wait3A_82 = tpu.memref_slice %arg6[%add3A_74, %dma_wait3A_81] : memref<10240x64xf32, #tpu.memory_space<vmem_shared>> -> memref<16x64xf32, #tpu.memory_space<vmem_shared>>
        tpu.wait_dma2 semaphore(%run_scoped3A : memref<!tpu.dma_semaphore, #tpu.memory_space<semaphore_mem>>) src(%arg13 : memref<16x64xf32, #tpu.memory_space<vmem>>) dst(%dma_wait3A_82 : memref<16x64xf32, #tpu.memory_space<vmem_shared>>)
        tpu.yield
      }) : () -> ()
    }
    %scan3A_11 = arith.constant 40 : i32
    %barrier3A = arith.constant 0 : index
    tpu.barrier barrier_id(%barrier3A)
    "tpu.region"() ({
      %run_scoped3A = tpu.sem_alloc : memref<!tpu.dma_semaphore, #tpu.memory_space<semaphore_mem>>
      %dma_start3A_65 = arith.constant 0 : i32
      %dma_start3A_66 = tpu.memref_slice %arg3[%mul3A_2, %dma_start3A_65] : memref<2560x128xi32, #tpu.memory_space<hbm>> -> memref<1x128xi32, #tpu.memory_space<hbm>>
      %dma_start3A_67 = tpu.memref_squeeze %dma_start3A_66 : memref<1x128xi32, #tpu.memory_space<hbm>> -> memref<128xi32, #tpu.memory_space<hbm>>
      %dma_start3A_68 = arith.constant 0 : i32
      %dma_start3A_69 = tpu.memref_slice %arg3[%mul3A_2, %dma_start3A_68] : memref<2560x128xi32, #tpu.memory_space<hbm>> -> memref<1x128xi32, #tpu.memory_space<hbm>>
      %dma_start3A_70 = tpu.memref_squeeze %dma_start3A_69 : memref<1x128xi32, #tpu.memory_space<hbm>> -> memref<128xi32, #tpu.memory_space<hbm>>
      tpu.enqueue_dma source(%dma_start3A_70 : memref<128xi32, #tpu.memory_space<hbm>>) target(%arg7 : memref<128xi32, #tpu.memory_space<vmem>>) target_semaphore(%run_scoped3A : memref<!tpu.dma_semaphore, #tpu.memory_space<semaphore_mem>>)
      %dma_wait3A_71 = arith.constant 0 : i32
      %dma_wait3A_72 = tpu.memref_slice %arg3[%mul3A_2, %dma_wait3A_71] : memref<2560x128xi32, #tpu.memory_space<hbm>> -> memref<1x128xi32, #tpu.memory_space<hbm>>
      %dma_wait3A_73 = tpu.memref_squeeze %dma_wait3A_72 : memref<1x128xi32, #tpu.memory_space<hbm>> -> memref<128xi32, #tpu.memory_space<hbm>>
      %dma_wait3A_74 = arith.constant 0 : i32
      %dma_wait3A_75 = tpu.memref_slice %arg3[%mul3A_2, %dma_wait3A_74] : memref<2560x128xi32, #tpu.memory_space<hbm>> -> memref<1x128xi32, #tpu.memory_space<hbm>>
      %dma_wait3A_76 = tpu.memref_squeeze %dma_wait3A_75 : memref<1x128xi32, #tpu.memory_space<hbm>> -> memref<128xi32, #tpu.memory_space<hbm>>
      tpu.wait_dma2 semaphore(%run_scoped3A : memref<!tpu.dma_semaphore, #tpu.memory_space<semaphore_mem>>) src(%dma_wait3A_76 : memref<128xi32, #tpu.memory_space<hbm>>) dst(%arg7 : memref<128xi32, #tpu.memory_space<vmem>>)
      tpu.yield
    }) : () -> ()
    "tpu.region"() ({
      %run_scoped3A = tpu.sem_alloc : memref<!tpu.dma_semaphore, #tpu.memory_space<semaphore_mem>>
      %dma_start3A_65 = arith.constant 0 : i32
      %dma_start3A_66 = tpu.memref_slice %arg4[%mul3A_2, %dma_start3A_65] : memref<2560x128xi32, #tpu.memory_space<hbm>> -> memref<1x128xi32, #tpu.memory_space<hbm>>
      %dma_start3A_67 = tpu.memref_squeeze %dma_start3A_66 : memref<1x128xi32, #tpu.memory_space<hbm>> -> memref<128xi32, #tpu.memory_space<hbm>>
      %dma_start3A_68 = arith.constant 0 : i32
      %dma_start3A_69 = tpu.memref_slice %arg4[%mul3A_2, %dma_start3A_68] : memref<2560x128xi32, #tpu.memory_space<hbm>> -> memref<1x128xi32, #tpu.memory_space<hbm>>
      %dma_start3A_70 = tpu.memref_squeeze %dma_start3A_69 : memref<1x128xi32, #tpu.memory_space<hbm>> -> memref<128xi32, #tpu.memory_space<hbm>>
      tpu.enqueue_dma source(%dma_start3A_70 : memref<128xi32, #tpu.memory_space<hbm>>) target(%arg9 : memref<128xi32, #tpu.memory_space<vmem>>) target_semaphore(%run_scoped3A : memref<!tpu.dma_semaphore, #tpu.memory_space<semaphore_mem>>)
      %dma_wait3A_71 = arith.constant 0 : i32
      %dma_wait3A_72 = tpu.memref_slice %arg4[%mul3A_2, %dma_wait3A_71] : memref<2560x128xi32, #tpu.memory_space<hbm>> -> memref<1x128xi32, #tpu.memory_space<hbm>>
      %dma_wait3A_73 = tpu.memref_squeeze %dma_wait3A_72 : memref<1x128xi32, #tpu.memory_space<hbm>> -> memref<128xi32, #tpu.memory_space<hbm>>
      %dma_wait3A_74 = arith.constant 0 : i32
      %dma_wait3A_75 = tpu.memref_slice %arg4[%mul3A_2, %dma_wait3A_74] : memref<2560x128xi32, #tpu.memory_space<hbm>> -> memref<1x128xi32, #tpu.memory_space<hbm>>
      %dma_wait3A_76 = tpu.memref_squeeze %dma_wait3A_75 : memref<1x128xi32, #tpu.memory_space<hbm>> -> memref<128xi32, #tpu.memory_space<hbm>>
      tpu.wait_dma2 semaphore(%run_scoped3A : memref<!tpu.dma_semaphore, #tpu.memory_space<semaphore_mem>>) src(%dma_wait3A_76 : memref<128xi32, #tpu.memory_space<hbm>>) dst(%arg9 : memref<128xi32, #tpu.memory_space<vmem>>)
      tpu.yield
    }) : () -> ()
    %dma_start3A = arith.constant 0 : i32
    %dma_start3A_12 = arith.constant 0 : i32
    %dma_start3A_13 = tpu.memref_slice %arg2[%dma_start3A, %dma_start3A_12] : memref<10240x64xf32, #tpu.memory_space<hbm>> -> memref<10240x64xf32, #tpu.memory_space<hbm>>
    tpu.enqueue_indirect_dma source(%dma_start3A_13 : memref<10240x64xf32, #tpu.memory_space<hbm>>) target(%arg11 : memref<128x64xf32, #tpu.memory_space<vmem>>) offsets(%arg7 : memref<128xi32, #tpu.memory_space<vmem>>) semaphore(%arg14 : memref<!tpu.dma_semaphore, #tpu.memory_space<semaphore_mem>>)
    %add3A_14 = arith.constant 1 : i32
    %add3A_15 = arith.addi %mul3A_2, %add3A_14 : i32
    %dma_start3A_16 = arith.constant 0 : i32
    %dma_start3A_17 = tpu.memref_slice %arg3[%add3A_15, %dma_start3A_16] : memref<2560x128xi32, #tpu.memory_space<hbm>> -> memref<1x128xi32, #tpu.memory_space<hbm>>
    %dma_start3A_18 = tpu.memref_squeeze %dma_start3A_17 : memref<1x128xi32, #tpu.memory_space<hbm>> -> memref<128xi32, #tpu.memory_space<hbm>>
    %dma_start3A_19 = arith.constant 0 : i32
    %dma_start3A_20 = tpu.memref_slice %arg3[%add3A_15, %dma_start3A_19] : memref<2560x128xi32, #tpu.memory_space<hbm>> -> memref<1x128xi32, #tpu.memory_space<hbm>>
    %dma_start3A_21 = tpu.memref_squeeze %dma_start3A_20 : memref<1x128xi32, #tpu.memory_space<hbm>> -> memref<128xi32, #tpu.memory_space<hbm>>
    tpu.enqueue_dma source(%dma_start3A_21 : memref<128xi32, #tpu.memory_space<hbm>>) target(%arg8 : memref<128xi32, #tpu.memory_space<vmem>>) target_semaphore(%arg17 : memref<!tpu.dma_semaphore, #tpu.memory_space<semaphore_mem>>)
    %add3A_22 = arith.constant 1 : i32
    %add3A_23 = arith.addi %mul3A_2, %add3A_22 : i32
    %dma_start3A_24 = arith.constant 0 : i32
    %dma_start3A_25 = tpu.memref_slice %arg4[%add3A_23, %dma_start3A_24] : memref<2560x128xi32, #tpu.memory_space<hbm>> -> memref<1x128xi32, #tpu.memory_space<hbm>>
    %dma_start3A_26 = tpu.memref_squeeze %dma_start3A_25 : memref<1x128xi32, #tpu.memory_space<hbm>> -> memref<128xi32, #tpu.memory_space<hbm>>
    %dma_start3A_27 = arith.constant 0 : i32
    %dma_start3A_28 = tpu.memref_slice %arg4[%add3A_23, %dma_start3A_27] : memref<2560x128xi32, #tpu.memory_space<hbm>> -> memref<1x128xi32, #tpu.memory_space<hbm>>
    %dma_start3A_29 = tpu.memref_squeeze %dma_start3A_28 : memref<1x128xi32, #tpu.memory_space<hbm>> -> memref<128xi32, #tpu.memory_space<hbm>>
    tpu.enqueue_dma source(%dma_start3A_29 : memref<128xi32, #tpu.memory_space<hbm>>) target(%arg10 : memref<128xi32, #tpu.memory_space<vmem>>) target_semaphore(%arg17 : memref<!tpu.dma_semaphore, #tpu.memory_space<semaphore_mem>>)
    %scan3A_30 = arith.constant 0 : i32
    %scan3A_31 = arith.constant 39 : i32
    %scan3A_32 = arith.addi %scan3A_30, %scan3A_31 : i32
    %scan3A_33 = arith.constant 1 : i32
    scf.for %scan3A_65 = %scan3A_30 to %scan3A_32 step %scan3A_33  : i32 {
      %mul3A_66 = arith.constant 2 : i32
      %mul3A_67 = arith.muli %scan3A_65, %mul3A_66 : i32
      %add3A_68 = arith.constant 0 : i32
      %add3A_69 = arith.addi %add3A_68, %mul3A_67 : i32
      %dma_wait3A_70 = arith.constant 0 : i32
      %dma_wait3A_71 = arith.constant 0 : i32
      %dma_wait3A_72 = tpu.memref_slice %arg2[%dma_wait3A_70, %dma_wait3A_71] : memref<10240x64xf32, #tpu.memory_space<hbm>> -> memref<10240x64xf32, #tpu.memory_space<hbm>>
      tpu.wait_indirect_dma semaphore(%arg14 : memref<!tpu.dma_semaphore, #tpu.memory_space<semaphore_mem>>) src(%dma_wait3A_72 : memref<10240x64xf32, #tpu.memory_space<hbm>>) dst(%arg11 : memref<128x64xf32, #tpu.memory_space<vmem>>)
      %add3A_73 = arith.constant 1 : i32
      %add3A_74 = arith.addi %add3A_69, %add3A_73 : i32
      %add3A_75 = arith.addi %mul3A_2, %add3A_74 : i32
      %dma_wait3A_76 = arith.constant 0 : i32
      %dma_wait3A_77 = tpu.memref_slice %arg3[%add3A_75, %dma_wait3A_76] : memref<2560x128xi32, #tpu.memory_space<hbm>> -> memref<1x128xi32, #tpu.memory_space<hbm>>
      %dma_wait3A_78 = tpu.memref_squeeze %dma_wait3A_77 : memref<1x128xi32, #tpu.memory_space<hbm>> -> memref<128xi32, #tpu.memory_space<hbm>>
      %dma_wait3A_79 = arith.constant 0 : i32
      %dma_wait3A_80 = tpu.memref_slice %arg3[%add3A_75, %dma_wait3A_79] : memref<2560x128xi32, #tpu.memory_space<hbm>> -> memref<1x128xi32, #tpu.memory_space<hbm>>
      %dma_wait3A_81 = tpu.memref_squeeze %dma_wait3A_80 : memref<1x128xi32, #tpu.memory_space<hbm>> -> memref<128xi32, #tpu.memory_space<hbm>>
      tpu.wait_dma2 semaphore(%arg17 : memref<!tpu.dma_semaphore, #tpu.memory_space<semaphore_mem>>) src(%dma_wait3A_81 : memref<128xi32, #tpu.memory_space<hbm>>) dst(%arg8 : memref<128xi32, #tpu.memory_space<vmem>>)
      %add3A_82 = arith.addi %mul3A_2, %add3A_74 : i32
      %dma_wait3A_83 = arith.constant 0 : i32
      %dma_wait3A_84 = tpu.memref_slice %arg4[%add3A_82, %dma_wait3A_83] : memref<2560x128xi32, #tpu.memory_space<hbm>> -> memref<1x128xi32, #tpu.memory_space<hbm>>
      %dma_wait3A_85 = tpu.memref_squeeze %dma_wait3A_84 : memref<1x128xi32, #tpu.memory_space<hbm>> -> memref<128xi32, #tpu.memory_space<hbm>>
      %dma_wait3A_86 = arith.constant 0 : i32
      %dma_wait3A_87 = tpu.memref_slice %arg4[%add3A_82, %dma_wait3A_86] : memref<2560x128xi32, #tpu.memory_space<hbm>> -> memref<1x128xi32, #tpu.memory_space<hbm>>
      %dma_wait3A_88 = tpu.memref_squeeze %dma_wait3A_87 : memref<1x128xi32, #tpu.memory_space<hbm>> -> memref<128xi32, #tpu.memory_space<hbm>>
      tpu.wait_dma2 semaphore(%arg17 : memref<!tpu.dma_semaphore, #tpu.memory_space<semaphore_mem>>) src(%dma_wait3A_88 : memref<128xi32, #tpu.memory_space<hbm>>) dst(%arg10 : memref<128xi32, #tpu.memory_space<vmem>>)
      %dma_start3A_89 = arith.constant 0 : i32
      %dma_start3A_90 = arith.constant 0 : i32
      %dma_start3A_91 = tpu.memref_slice %arg2[%dma_start3A_89, %dma_start3A_90] : memref<10240x64xf32, #tpu.memory_space<hbm>> -> memref<10240x64xf32, #tpu.memory_space<hbm>>
      tpu.enqueue_indirect_dma source(%dma_start3A_91 : memref<10240x64xf32, #tpu.memory_space<hbm>>) target(%arg12 : memref<128x64xf32, #tpu.memory_space<vmem>>) offsets(%arg8 : memref<128xi32, #tpu.memory_space<vmem>>) semaphore(%arg15 : memref<!tpu.dma_semaphore, #tpu.memory_space<semaphore_mem>>)
      "tpu.region"() ({
        %run_scoped3A = tpu.sem_alloc : memref<!tpu.dma_semaphore, #tpu.memory_space<semaphore_mem>>
        %dma_start3A_148 = arith.constant 0 : i32
        %dma_start3A_149 = arith.constant 0 : i32
        %dma_start3A_150 = tpu.memref_slice %arg6[%dma_start3A_148, %dma_start3A_149] : memref<10240x64xf32, #tpu.memory_space<vmem_shared>> -> memref<10240x64xf32, #tpu.memory_space<vmem_shared>>
        tpu.enqueue_indirect_dma source(%arg11 : memref<128x64xf32, #tpu.memory_space<vmem>>) target(%dma_start3A_150 : memref<10240x64xf32, #tpu.memory_space<vmem_shared>>) offsets(%arg9 : memref<128xi32, #tpu.memory_space<vmem>>) semaphore(%run_scoped3A : memref<!tpu.dma_semaphore, #tpu.memory_space<semaphore_mem>>) {add = true}
        %dma_wait3A_151 = arith.constant 0 : i32
        %dma_wait3A_152 = arith.constant 0 : i32
        %dma_wait3A_153 = tpu.memref_slice %arg6[%dma_wait3A_151, %dma_wait3A_152] : memref<10240x64xf32, #tpu.memory_space<vmem_shared>> -> memref<10240x64xf32, #tpu.memory_space<vmem_shared>>
        tpu.wait_indirect_dma semaphore(%run_scoped3A : memref<!tpu.dma_semaphore, #tpu.memory_space<semaphore_mem>>) src(%arg11 : memref<128x64xf32, #tpu.memory_space<vmem>>) dst(%dma_wait3A_153 : memref<10240x64xf32, #tpu.memory_space<vmem_shared>>)
        tpu.yield
      }) : () -> ()
      %add3A_92 = arith.constant 2 : i32
      %add3A_93 = arith.addi %add3A_69, %add3A_92 : i32
      %add3A_94 = arith.addi %mul3A_2, %add3A_93 : i32
      %dma_start3A_95 = arith.constant 0 : i32
      %dma_start3A_96 = tpu.memref_slice %arg3[%add3A_94, %dma_start3A_95] : memref<2560x128xi32, #tpu.memory_space<hbm>> -> memref<1x128xi32, #tpu.memory_space<hbm>>
      %dma_start3A_97 = tpu.memref_squeeze %dma_start3A_96 : memref<1x128xi32, #tpu.memory_space<hbm>> -> memref<128xi32, #tpu.memory_space<hbm>>
      %dma_start3A_98 = arith.constant 0 : i32
      %dma_start3A_99 = tpu.memref_slice %arg3[%add3A_94, %dma_start3A_98] : memref<2560x128xi32, #tpu.memory_space<hbm>> -> memref<1x128xi32, #tpu.memory_space<hbm>>
      %dma_start3A_100 = tpu.memref_squeeze %dma_start3A_99 : memref<1x128xi32, #tpu.memory_space<hbm>> -> memref<128xi32, #tpu.memory_space<hbm>>
      tpu.enqueue_dma source(%dma_start3A_100 : memref<128xi32, #tpu.memory_space<hbm>>) target(%arg7 : memref<128xi32, #tpu.memory_space<vmem>>) target_semaphore(%arg16 : memref<!tpu.dma_semaphore, #tpu.memory_space<semaphore_mem>>)
      %add3A_101 = arith.addi %mul3A_2, %add3A_93 : i32
      %dma_start3A_102 = arith.constant 0 : i32
      %dma_start3A_103 = tpu.memref_slice %arg4[%add3A_101, %dma_start3A_102] : memref<2560x128xi32, #tpu.memory_space<hbm>> -> memref<1x128xi32, #tpu.memory_space<hbm>>
      %dma_start3A_104 = tpu.memref_squeeze %dma_start3A_103 : memref<1x128xi32, #tpu.memory_space<hbm>> -> memref<128xi32, #tpu.memory_space<hbm>>
      %dma_start3A_105 = arith.constant 0 : i32
      %dma_start3A_106 = tpu.memref_slice %arg4[%add3A_101, %dma_start3A_105] : memref<2560x128xi32, #tpu.memory_space<hbm>> -> memref<1x128xi32, #tpu.memory_space<hbm>>
      %dma_start3A_107 = tpu.memref_squeeze %dma_start3A_106 : memref<1x128xi32, #tpu.memory_space<hbm>> -> memref<128xi32, #tpu.memory_space<hbm>>
      tpu.enqueue_dma source(%dma_start3A_107 : memref<128xi32, #tpu.memory_space<hbm>>) target(%arg9 : memref<128xi32, #tpu.memory_space<vmem>>) target_semaphore(%arg16 : memref<!tpu.dma_semaphore, #tpu.memory_space<semaphore_mem>>)
      %add3A_108 = arith.constant 1 : i32
      %add3A_109 = arith.addi %add3A_69, %add3A_108 : i32
      %dma_wait3A_110 = arith.constant 0 : i32
      %dma_wait3A_111 = arith.constant 0 : i32
      %dma_wait3A_112 = tpu.memref_slice %arg2[%dma_wait3A_110, %dma_wait3A_111] : memref<10240x64xf32, #tpu.memory_space<hbm>> -> memref<10240x64xf32, #tpu.memory_space<hbm>>
      tpu.wait_indirect_dma semaphore(%arg15 : memref<!tpu.dma_semaphore, #tpu.memory_space<semaphore_mem>>) src(%dma_wait3A_112 : memref<10240x64xf32, #tpu.memory_space<hbm>>) dst(%arg12 : memref<128x64xf32, #tpu.memory_space<vmem>>)
      %add3A_113 = arith.constant 1 : i32
      %add3A_114 = arith.addi %add3A_109, %add3A_113 : i32
      %add3A_115 = arith.addi %mul3A_2, %add3A_114 : i32
      %dma_wait3A_116 = arith.constant 0 : i32
      %dma_wait3A_117 = tpu.memref_slice %arg3[%add3A_115, %dma_wait3A_116] : memref<2560x128xi32, #tpu.memory_space<hbm>> -> memref<1x128xi32, #tpu.memory_space<hbm>>
      %dma_wait3A_118 = tpu.memref_squeeze %dma_wait3A_117 : memref<1x128xi32, #tpu.memory_space<hbm>> -> memref<128xi32, #tpu.memory_space<hbm>>
      %dma_wait3A_119 = arith.constant 0 : i32
      %dma_wait3A_120 = tpu.memref_slice %arg3[%add3A_115, %dma_wait3A_119] : memref<2560x128xi32, #tpu.memory_space<hbm>> -> memref<1x128xi32, #tpu.memory_space<hbm>>
      %dma_wait3A_121 = tpu.memref_squeeze %dma_wait3A_120 : memref<1x128xi32, #tpu.memory_space<hbm>> -> memref<128xi32, #tpu.memory_space<hbm>>
      tpu.wait_dma2 semaphore(%arg16 : memref<!tpu.dma_semaphore, #tpu.memory_space<semaphore_mem>>) src(%dma_wait3A_121 : memref<128xi32, #tpu.memory_space<hbm>>) dst(%arg7 : memref<128xi32, #tpu.memory_space<vmem>>)
      %add3A_122 = arith.addi %mul3A_2, %add3A_114 : i32
      %dma_wait3A_123 = arith.constant 0 : i32
      %dma_wait3A_124 = tpu.memref_slice %arg4[%add3A_122, %dma_wait3A_123] : memref<2560x128xi32, #tpu.memory_space<hbm>> -> memref<1x128xi32, #tpu.memory_space<hbm>>
      %dma_wait3A_125 = tpu.memref_squeeze %dma_wait3A_124 : memref<1x128xi32, #tpu.memory_space<hbm>> -> memref<128xi32, #tpu.memory_space<hbm>>
      %dma_wait3A_126 = arith.constant 0 : i32
      %dma_wait3A_127 = tpu.memref_slice %arg4[%add3A_122, %dma_wait3A_126] : memref<2560x128xi32, #tpu.memory_space<hbm>> -> memref<1x128xi32, #tpu.memory_space<hbm>>
      %dma_wait3A_128 = tpu.memref_squeeze %dma_wait3A_127 : memref<1x128xi32, #tpu.memory_space<hbm>> -> memref<128xi32, #tpu.memory_space<hbm>>
      tpu.wait_dma2 semaphore(%arg16 : memref<!tpu.dma_semaphore, #tpu.memory_space<semaphore_mem>>) src(%dma_wait3A_128 : memref<128xi32, #tpu.memory_space<hbm>>) dst(%arg9 : memref<128xi32, #tpu.memory_space<vmem>>)
      %dma_start3A_129 = arith.constant 0 : i32
      %dma_start3A_130 = arith.constant 0 : i32
      %dma_start3A_131 = tpu.memref_slice %arg2[%dma_start3A_129, %dma_start3A_130] : memref<10240x64xf32, #tpu.memory_space<hbm>> -> memref<10240x64xf32, #tpu.memory_space<hbm>>
      tpu.enqueue_indirect_dma source(%dma_start3A_131 : memref<10240x64xf32, #tpu.memory_space<hbm>>) target(%arg11 : memref<128x64xf32, #tpu.memory_space<vmem>>) offsets(%arg7 : memref<128xi32, #tpu.memory_space<vmem>>) semaphore(%arg14 : memref<!tpu.dma_semaphore, #tpu.memory_space<semaphore_mem>>)
      "tpu.region"() ({
        %run_scoped3A = tpu.sem_alloc : memref<!tpu.dma_semaphore, #tpu.memory_space<semaphore_mem>>
        %dma_start3A_148 = arith.constant 0 : i32
        %dma_start3A_149 = arith.constant 0 : i32
        %dma_start3A_150 = tpu.memref_slice %arg6[%dma_start3A_148, %dma_start3A_149] : memref<10240x64xf32, #tpu.memory_space<vmem_shared>> -> memref<10240x64xf32, #tpu.memory_space<vmem_shared>>
        tpu.enqueue_indirect_dma source(%arg12 : memref<128x64xf32, #tpu.memory_space<vmem>>) target(%dma_start3A_150 : memref<10240x64xf32, #tpu.memory_space<vmem_shared>>) offsets(%arg10 : memref<128xi32, #tpu.memory_space<vmem>>) semaphore(%run_scoped3A : memref<!tpu.dma_semaphore, #tpu.memory_space<semaphore_mem>>) {add = true}
        %dma_wait3A_151 = arith.constant 0 : i32
        %dma_wait3A_152 = arith.constant 0 : i32
        %dma_wait3A_153 = tpu.memref_slice %arg6[%dma_wait3A_151, %dma_wait3A_152] : memref<10240x64xf32, #tpu.memory_space<vmem_shared>> -> memref<10240x64xf32, #tpu.memory_space<vmem_shared>>
        tpu.wait_indirect_dma semaphore(%run_scoped3A : memref<!tpu.dma_semaphore, #tpu.memory_space<semaphore_mem>>) src(%arg12 : memref<128x64xf32, #tpu.memory_space<vmem>>) dst(%dma_wait3A_153 : memref<10240x64xf32, #tpu.memory_space<vmem_shared>>)
        tpu.yield
      }) : () -> ()
      %add3A_132 = arith.constant 2 : i32
      %add3A_133 = arith.addi %add3A_109, %add3A_132 : i32
      %add3A_134 = arith.addi %mul3A_2, %add3A_133 : i32
      %dma_start3A_135 = arith.constant 0 : i32
      %dma_start3A_136 = tpu.memref_slice %arg3[%add3A_134, %dma_start3A_135] : memref<2560x128xi32, #tpu.memory_space<hbm>> -> memref<1x128xi32, #tpu.memory_space<hbm>>
      %dma_start3A_137 = tpu.memref_squeeze %dma_start3A_136 : memref<1x128xi32, #tpu.memory_space<hbm>> -> memref<128xi32, #tpu.memory_space<hbm>>
      %dma_start3A_138 = arith.constant 0 : i32
      %dma_start3A_139 = tpu.memref_slice %arg3[%add3A_134, %dma_start3A_138] : memref<2560x128xi32, #tpu.memory_space<hbm>> -> memref<1x128xi32, #tpu.memory_space<hbm>>
      %dma_start3A_140 = tpu.memref_squeeze %dma_start3A_139 : memref<1x128xi32, #tpu.memory_space<hbm>> -> memref<128xi32, #tpu.memory_space<hbm>>
      tpu.enqueue_dma source(%dma_start3A_140 : memref<128xi32, #tpu.memory_space<hbm>>) target(%arg8 : memref<128xi32, #tpu.memory_space<vmem>>) target_semaphore(%arg17 : memref<!tpu.dma_semaphore, #tpu.memory_space<semaphore_mem>>)
      %add3A_141 = arith.addi %mul3A_2, %add3A_133 : i32
      %dma_start3A_142 = arith.constant 0 : i32
      %dma_start3A_143 = tpu.memref_slice %arg4[%add3A_141, %dma_start3A_142] : memref<2560x128xi32, #tpu.memory_space<hbm>> -> memref<1x128xi32, #tpu.memory_space<hbm>>
      %dma_start3A_144 = tpu.memref_squeeze %dma_start3A_143 : memref<1x128xi32, #tpu.memory_space<hbm>> -> memref<128xi32, #tpu.memory_space<hbm>>
      %dma_start3A_145 = arith.constant 0 : i32
      %dma_start3A_146 = tpu.memref_slice %arg4[%add3A_141, %dma_start3A_145] : memref<2560x128xi32, #tpu.memory_space<hbm>> -> memref<1x128xi32, #tpu.memory_space<hbm>>
      %dma_start3A_147 = tpu.memref_squeeze %dma_start3A_146 : memref<1x128xi32, #tpu.memory_space<hbm>> -> memref<128xi32, #tpu.memory_space<hbm>>
      tpu.enqueue_dma source(%dma_start3A_147 : memref<128xi32, #tpu.memory_space<hbm>>) target(%arg10 : memref<128xi32, #tpu.memory_space<vmem>>) target_semaphore(%arg17 : memref<!tpu.dma_semaphore, #tpu.memory_space<semaphore_mem>>)
    }
    %scan3A_34 = arith.constant 39 : i32
    %dma_wait3A = arith.constant 0 : i32
    %dma_wait3A_35 = arith.constant 0 : i32
    %dma_wait3A_36 = tpu.memref_slice %arg2[%dma_wait3A, %dma_wait3A_35] : memref<10240x64xf32, #tpu.memory_space<hbm>> -> memref<10240x64xf32, #tpu.memory_space<hbm>>
    tpu.wait_indirect_dma semaphore(%arg14 : memref<!tpu.dma_semaphore, #tpu.memory_space<semaphore_mem>>) src(%dma_wait3A_36 : memref<10240x64xf32, #tpu.memory_space<hbm>>) dst(%arg11 : memref<128x64xf32, #tpu.memory_space<vmem>>)
    %add3A_37 = arith.constant 79 : i32
    %add3A_38 = arith.addi %mul3A_2, %add3A_37 : i32
    %dma_wait3A_39 = arith.constant 0 : i32
    %dma_wait3A_40 = tpu.memref_slice %arg3[%add3A_38, %dma_wait3A_39] : memref<2560x128xi32, #tpu.memory_space<hbm>> -> memref<1x128xi32, #tpu.memory_space<hbm>>
    %dma_wait3A_41 = tpu.memref_squeeze %dma_wait3A_40 : memref<1x128xi32, #tpu.memory_space<hbm>> -> memref<128xi32, #tpu.memory_space<hbm>>
    %dma_wait3A_42 = arith.constant 0 : i32
    %dma_wait3A_43 = tpu.memref_slice %arg3[%add3A_38, %dma_wait3A_42] : memref<2560x128xi32, #tpu.memory_space<hbm>> -> memref<1x128xi32, #tpu.memory_space<hbm>>
    %dma_wait3A_44 = tpu.memref_squeeze %dma_wait3A_43 : memref<1x128xi32, #tpu.memory_space<hbm>> -> memref<128xi32, #tpu.memory_space<hbm>>
    tpu.wait_dma2 semaphore(%arg17 : memref<!tpu.dma_semaphore, #tpu.memory_space<semaphore_mem>>) src(%dma_wait3A_44 : memref<128xi32, #tpu.memory_space<hbm>>) dst(%arg8 : memref<128xi32, #tpu.memory_space<vmem>>)
    %add3A_45 = arith.constant 79 : i32
    %add3A_46 = arith.addi %mul3A_2, %add3A_45 : i32
    %dma_wait3A_47 = arith.constant 0 : i32
    %dma_wait3A_48 = tpu.memref_slice %arg4[%add3A_46, %dma_wait3A_47] : memref<2560x128xi32, #tpu.memory_space<hbm>> -> memref<1x128xi32, #tpu.memory_space<hbm>>
    %dma_wait3A_49 = tpu.memref_squeeze %dma_wait3A_48 : memref<1x128xi32, #tpu.memory_space<hbm>> -> memref<128xi32, #tpu.memory_space<hbm>>
    %dma_wait3A_50 = arith.constant 0 : i32
    %dma_wait3A_51 = tpu.memref_slice %arg4[%add3A_46, %dma_wait3A_50] : memref<2560x128xi32, #tpu.memory_space<hbm>> -> memref<1x128xi32, #tpu.memory_space<hbm>>
    %dma_wait3A_52 = tpu.memref_squeeze %dma_wait3A_51 : memref<1x128xi32, #tpu.memory_space<hbm>> -> memref<128xi32, #tpu.memory_space<hbm>>
    tpu.wait_dma2 semaphore(%arg17 : memref<!tpu.dma_semaphore, #tpu.memory_space<semaphore_mem>>) src(%dma_wait3A_52 : memref<128xi32, #tpu.memory_space<hbm>>) dst(%arg10 : memref<128xi32, #tpu.memory_space<vmem>>)
    %dma_start3A_53 = arith.constant 0 : i32
    %dma_start3A_54 = arith.constant 0 : i32
    %dma_start3A_55 = tpu.memref_slice %arg2[%dma_start3A_53, %dma_start3A_54] : memref<10240x64xf32, #tpu.memory_space<hbm>> -> memref<10240x64xf32, #tpu.memory_space<hbm>>
    tpu.enqueue_indirect_dma source(%dma_start3A_55 : memref<10240x64xf32, #tpu.memory_space<hbm>>) target(%arg12 : memref<128x64xf32, #tpu.memory_space<vmem>>) offsets(%arg8 : memref<128xi32, #tpu.memory_space<vmem>>) semaphore(%arg15 : memref<!tpu.dma_semaphore, #tpu.memory_space<semaphore_mem>>)
    "tpu.region"() ({
      %run_scoped3A = tpu.sem_alloc : memref<!tpu.dma_semaphore, #tpu.memory_space<semaphore_mem>>
      %dma_start3A_65 = arith.constant 0 : i32
      %dma_start3A_66 = arith.constant 0 : i32
      %dma_start3A_67 = tpu.memref_slice %arg6[%dma_start3A_65, %dma_start3A_66] : memref<10240x64xf32, #tpu.memory_space<vmem_shared>> -> memref<10240x64xf32, #tpu.memory_space<vmem_shared>>
      tpu.enqueue_indirect_dma source(%arg11 : memref<128x64xf32, #tpu.memory_space<vmem>>) target(%dma_start3A_67 : memref<10240x64xf32, #tpu.memory_space<vmem_shared>>) offsets(%arg9 : memref<128xi32, #tpu.memory_space<vmem>>) semaphore(%run_scoped3A : memref<!tpu.dma_semaphore, #tpu.memory_space<semaphore_mem>>) {add = true}
      %dma_wait3A_68 = arith.constant 0 : i32
      %dma_wait3A_69 = arith.constant 0 : i32
      %dma_wait3A_70 = tpu.memref_slice %arg6[%dma_wait3A_68, %dma_wait3A_69] : memref<10240x64xf32, #tpu.memory_space<vmem_shared>> -> memref<10240x64xf32, #tpu.memory_space<vmem_shared>>
      tpu.wait_indirect_dma semaphore(%run_scoped3A : memref<!tpu.dma_semaphore, #tpu.memory_space<semaphore_mem>>) src(%arg11 : memref<128x64xf32, #tpu.memory_space<vmem>>) dst(%dma_wait3A_70 : memref<10240x64xf32, #tpu.memory_space<vmem_shared>>)
      tpu.yield
    }) : () -> ()
    %dma_wait3A_56 = arith.constant 0 : i32
    %dma_wait3A_57 = arith.constant 0 : i32
    %dma_wait3A_58 = tpu.memref_slice %arg2[%dma_wait3A_56, %dma_wait3A_57] : memref<10240x64xf32, #tpu.memory_space<hbm>> -> memref<10240x64xf32, #tpu.memory_space<hbm>>
    tpu.wait_indirect_dma semaphore(%arg15 : memref<!tpu.dma_semaphore, #tpu.memory_space<semaphore_mem>>) src(%dma_wait3A_58 : memref<10240x64xf32, #tpu.memory_space<hbm>>) dst(%arg12 : memref<128x64xf32, #tpu.memory_space<vmem>>)
    "tpu.region"() ({
      %run_scoped3A = tpu.sem_alloc : memref<!tpu.dma_semaphore, #tpu.memory_space<semaphore_mem>>
      %dma_start3A_65 = arith.constant 0 : i32
      %dma_start3A_66 = arith.constant 0 : i32
      %dma_start3A_67 = tpu.memref_slice %arg6[%dma_start3A_65, %dma_start3A_66] : memref<10240x64xf32, #tpu.memory_space<vmem_shared>> -> memref<10240x64xf32, #tpu.memory_space<vmem_shared>>
      tpu.enqueue_indirect_dma source(%arg12 : memref<128x64xf32, #tpu.memory_space<vmem>>) target(%dma_start3A_67 : memref<10240x64xf32, #tpu.memory_space<vmem_shared>>) offsets(%arg10 : memref<128xi32, #tpu.memory_space<vmem>>) semaphore(%run_scoped3A : memref<!tpu.dma_semaphore, #tpu.memory_space<semaphore_mem>>) {add = true}
      %dma_wait3A_68 = arith.constant 0 : i32
      %dma_wait3A_69 = arith.constant 0 : i32
      %dma_wait3A_70 = tpu.memref_slice %arg6[%dma_wait3A_68, %dma_wait3A_69] : memref<10240x64xf32, #tpu.memory_space<vmem_shared>> -> memref<10240x64xf32, #tpu.memory_space<vmem_shared>>
      tpu.wait_indirect_dma semaphore(%run_scoped3A : memref<!tpu.dma_semaphore, #tpu.memory_space<semaphore_mem>>) src(%arg12 : memref<128x64xf32, #tpu.memory_space<vmem>>) dst(%dma_wait3A_70 : memref<10240x64xf32, #tpu.memory_space<vmem_shared>>)
      tpu.yield
    }) : () -> ()
    %barrier3A_59 = arith.constant 0 : index
    tpu.barrier barrier_id(%barrier3A_59)
    %scan3A_60 = arith.constant 0 : i32
    %scan3A_61 = arith.constant 5 : i32
    %scan3A_62 = arith.addi %scan3A_60, %scan3A_61 : i32
    %scan3A_63 = arith.constant 1 : i32
    scf.for %scan3A_65 = %scan3A_60 to %scan3A_62 step %scan3A_63  : i32 {
      %mul3A_66 = arith.constant 1 : i32
      %mul3A_67 = arith.muli %scan3A_65, %mul3A_66 : i32
      %add3A_68 = arith.constant 0 : i32
      %add3A_69 = arith.addi %add3A_68, %mul3A_67 : i32
      %mul3A_70 = arith.constant 640 : i32
      %mul3A_71 = arith.muli %arg1, %mul3A_70 : i32
      %mul3A_72 = arith.constant 128 : i32
      %mul3A_73 = arith.muli %add3A_69, %mul3A_72 : i32
      %add3A_74 = arith.addi %mul3A_71, %mul3A_73 : i32
      "tpu.region"() ({
        %run_scoped3A = tpu.sem_alloc : memref<!tpu.dma_semaphore, #tpu.memory_space<semaphore_mem>>
        %dma_start3A_75 = arith.constant 0 : i32
        %dma_start3A_76 = tpu.memref_slice %arg5[%arg0, %add3A_74, %dma_start3A_75] : memref<2x10240x64xf32, #tpu.memory_space<hbm>> -> memref<1x128x64xf32, #tpu.memory_space<hbm>>
        %dma_start3A_77 = tpu.memref_squeeze %dma_start3A_76 : memref<1x128x64xf32, #tpu.memory_space<hbm>> -> memref<128x64xf32, #tpu.memory_space<hbm>>
        %dma_start3A_78 = arith.constant 0 : i32
        %dma_start3A_79 = tpu.memref_slice %arg6[%add3A_74, %dma_start3A_78] : memref<10240x64xf32, #tpu.memory_space<vmem_shared>> -> memref<128x64xf32, #tpu.memory_space<vmem_shared>>
        tpu.enqueue_dma source(%dma_start3A_79 : memref<128x64xf32, #tpu.memory_space<vmem_shared>>) target(%dma_start3A_77 : memref<128x64xf32, #tpu.memory_space<hbm>>) target_semaphore(%run_scoped3A : memref<!tpu.dma_semaphore, #tpu.memory_space<semaphore_mem>>)
        %dma_wait3A_80 = arith.constant 0 : i32
        %dma_wait3A_81 = tpu.memref_slice %arg5[%arg0, %add3A_74, %dma_wait3A_80] : memref<2x10240x64xf32, #tpu.memory_space<hbm>> -> memref<1x128x64xf32, #tpu.memory_space<hbm>>
        %dma_wait3A_82 = tpu.memref_squeeze %dma_wait3A_81 : memref<1x128x64xf32, #tpu.memory_space<hbm>> -> memref<128x64xf32, #tpu.memory_space<hbm>>
        %dma_wait3A_83 = arith.constant 0 : i32
        %dma_wait3A_84 = tpu.memref_slice %arg6[%add3A_74, %dma_wait3A_83] : memref<10240x64xf32, #tpu.memory_space<vmem_shared>> -> memref<128x64xf32, #tpu.memory_space<vmem_shared>>
        tpu.wait_dma2 semaphore(%run_scoped3A : memref<!tpu.dma_semaphore, #tpu.memory_space<semaphore_mem>>) src(%dma_wait3A_84 : memref<128x64xf32, #tpu.memory_space<vmem_shared>>) dst(%dma_wait3A_82 : memref<128x64xf32, #tpu.memory_space<hbm>>)
        tpu.yield
      }) : () -> ()
    }
    %scan3A_64 = arith.constant 5 : i32
    return
  }
}

#map = affine_map<(d0, d1) -> (0, 0)>
#map1 = affine_map<(d0, d1) -> (0, 0, 0)>
module attributes {stable_mosaic.version = 14 : i64} {
  func.func @hist_kernel(%arg0: i32, %arg1: i32, %arg2: memref<2560x128xi32, #tpu.memory_space<hbm>>, %arg3: memref<2x10240x16xf32, #tpu.memory_space<hbm>>, %arg4: memref<10240x16xf32, #tpu.memory_space<vmem_shared>>, %arg5: memref<128xi32, #tpu.memory_space<vmem>>, %arg6: memref<128xi32, #tpu.memory_space<vmem>>, %arg7: memref<128x16xf32, #tpu.memory_space<vmem>>, %arg8: memref<128x16xf32, #tpu.memory_space<vmem>>, %arg9: memref<!tpu.dma_semaphore, #tpu.memory_space<semaphore_mem>>, %arg10: memref<!tpu.dma_semaphore, #tpu.memory_space<semaphore_mem>>) attributes {dimension_semantics = [#tpu.dimension_semantics<core_parallel>, #tpu.dimension_semantics<subcore_parallel>], iteration_bounds = array<i64: 2, 16>, scalar_prefetch = 0 : i64, scratch_operands = 7 : i64, tpu.core_type = #tpu.core_type<sc_vector_subcore>, window_params = [{transform_indices = #map}, {transform_indices = #map1}]} {
    %mul3A = arith.constant 2 : i32
    %mul3A_0 = arith.muli %arg1, %mul3A : i32
    %add3A = arith.addi %mul3A_0, %arg0 : i32
    %scan3A = arith.constant 0 : i32
    %scan3A_1 = arith.constant 128 : i32
    %scan3A_2 = arith.addi %scan3A, %scan3A_1 : i32
    %scan3A_3 = arith.constant 1 : i32
    scf.for %scan3A_59 = %scan3A to %scan3A_2 step %scan3A_3  : i32 {
      %mul3A_60 = arith.constant 1 : i32
      %mul3A_61 = arith.muli %scan3A_59, %mul3A_60 : i32
      %add3A_62 = arith.constant 0 : i32
      %add3A_63 = arith.addi %add3A_62, %mul3A_61 : i32
      %broadcast_in_dim3A = arith.constant 1.000000e+00 : f32
      %broadcast_in_dim3A_64 = vector.broadcast %broadcast_in_dim3A : f32 to vector<16xf32>
      %swap3A = arith.index_cast %add3A_63 : i32 to index
      %swap3A_65 = arith.constant 0 : index
      %swap3A_66 = tpu.vector_load %arg7[%swap3A, %swap3A_65] {strides = array<i32>} : memref<128x16xf32, #tpu.memory_space<vmem>>, vector<1x16xf32>,
      %swap3A_67 = vector.shape_cast %swap3A_66 : vector<1x16xf32> to vector<16xf32>
      %swap3A_68 = vector.shape_cast %broadcast_in_dim3A_64 : vector<16xf32> to vector<1x16xf32>
      tpu.vector_store %arg7[%swap3A, %swap3A_65], %swap3A_68 {strides = array<i32>} : memref<128x16xf32, #tpu.memory_space<vmem>>, vector<1x16xf32>,
      %broadcast_in_dim3A_69 = arith.constant 0.000000e+00 : f32
      %broadcast_in_dim3A_70 = vector.broadcast %broadcast_in_dim3A_69 : f32 to vector<16xf32>
      %swap3A_71 = arith.index_cast %add3A_63 : i32 to index
      %swap3A_72 = arith.constant 0 : index
      %swap3A_73 = tpu.vector_load %arg8[%swap3A_71, %swap3A_72] {strides = array<i32>} : memref<128x16xf32, #tpu.memory_space<vmem>>, vector<1x16xf32>,
      %swap3A_74 = vector.shape_cast %swap3A_73 : vector<1x16xf32> to vector<16xf32>
      %swap3A_75 = vector.shape_cast %broadcast_in_dim3A_70 : vector<16xf32> to vector<1x16xf32>
      tpu.vector_store %arg8[%swap3A_71, %swap3A_72], %swap3A_75 {strides = array<i32>} : memref<128x16xf32, #tpu.memory_space<vmem>>, vector<1x16xf32>,
    }
    %scan3A_4 = arith.constant 128 : i32
    %scan3A_5 = arith.constant 0 : i32
    %scan3A_6 = arith.constant 5 : i32
    %scan3A_7 = arith.addi %scan3A_5, %scan3A_6 : i32
    %scan3A_8 = arith.constant 1 : i32
    scf.for %scan3A_59 = %scan3A_5 to %scan3A_7 step %scan3A_8  : i32 {
      %mul3A_60 = arith.constant 1 : i32
      %mul3A_61 = arith.muli %scan3A_59, %mul3A_60 : i32
      %add3A_62 = arith.constant 0 : i32
      %add3A_63 = arith.addi %add3A_62, %mul3A_61 : i32
      %mul3A_64 = arith.constant 640 : i32
      %mul3A_65 = arith.muli %arg1, %mul3A_64 : i32
      %mul3A_66 = arith.constant 128 : i32
      %mul3A_67 = arith.muli %add3A_63, %mul3A_66 : i32
      %add3A_68 = arith.addi %mul3A_65, %mul3A_67 : i32
      "tpu.region"() ({
        %run_scoped3A = tpu.sem_alloc : memref<!tpu.dma_semaphore, #tpu.memory_space<semaphore_mem>>
        %dma_start3A_69 = arith.constant 0 : i32
        %dma_start3A_70 = tpu.memref_slice %arg4[%add3A_68, %dma_start3A_69] : memref<10240x16xf32, #tpu.memory_space<vmem_shared>> -> memref<128x16xf32, #tpu.memory_space<vmem_shared>>
        %dma_start3A_71 = arith.constant 0 : i32
        %dma_start3A_72 = tpu.memref_slice %arg4[%add3A_68, %dma_start3A_71] : memref<10240x16xf32, #tpu.memory_space<vmem_shared>> -> memref<128x16xf32, #tpu.memory_space<vmem_shared>>
        tpu.enqueue_dma source(%arg8 : memref<128x16xf32, #tpu.memory_space<vmem>>) target(%dma_start3A_72 : memref<128x16xf32, #tpu.memory_space<vmem_shared>>) target_semaphore(%run_scoped3A : memref<!tpu.dma_semaphore, #tpu.memory_space<semaphore_mem>>)
        %dma_wait3A_73 = arith.constant 0 : i32
        %dma_wait3A_74 = tpu.memref_slice %arg4[%add3A_68, %dma_wait3A_73] : memref<10240x16xf32, #tpu.memory_space<vmem_shared>> -> memref<128x16xf32, #tpu.memory_space<vmem_shared>>
        %dma_wait3A_75 = arith.constant 0 : i32
        %dma_wait3A_76 = tpu.memref_slice %arg4[%add3A_68, %dma_wait3A_75] : memref<10240x16xf32, #tpu.memory_space<vmem_shared>> -> memref<128x16xf32, #tpu.memory_space<vmem_shared>>
        tpu.wait_dma2 semaphore(%run_scoped3A : memref<!tpu.dma_semaphore, #tpu.memory_space<semaphore_mem>>) src(%arg8 : memref<128x16xf32, #tpu.memory_space<vmem>>) dst(%dma_wait3A_76 : memref<128x16xf32, #tpu.memory_space<vmem_shared>>)
        tpu.yield
      }) : () -> ()
    }
    %scan3A_9 = arith.constant 5 : i32
    %barrier3A = arith.constant 0 : index
    tpu.barrier barrier_id(%barrier3A)
    %mul3A_10 = arith.constant 80 : i32
    %mul3A_11 = arith.muli %add3A, %mul3A_10 : i32
    %add3A_12 = arith.constant 0 : i32
    %add3A_13 = arith.addi %mul3A_11, %add3A_12 : i32
    %dma_start3A = arith.constant 0 : i32
    %dma_start3A_14 = tpu.memref_slice %arg2[%add3A_13, %dma_start3A] : memref<2560x128xi32, #tpu.memory_space<hbm>> -> memref<1x128xi32, #tpu.memory_space<hbm>>
    %dma_start3A_15 = tpu.memref_squeeze %dma_start3A_14 : memref<1x128xi32, #tpu.memory_space<hbm>> -> memref<128xi32, #tpu.memory_space<hbm>>
    %dma_start3A_16 = arith.constant 0 : i32
    %dma_start3A_17 = tpu.memref_slice %arg2[%add3A_13, %dma_start3A_16] : memref<2560x128xi32, #tpu.memory_space<hbm>> -> memref<1x128xi32, #tpu.memory_space<hbm>>
    %dma_start3A_18 = tpu.memref_squeeze %dma_start3A_17 : memref<1x128xi32, #tpu.memory_space<hbm>> -> memref<128xi32, #tpu.memory_space<hbm>>
    tpu.enqueue_dma source(%dma_start3A_18 : memref<128xi32, #tpu.memory_space<hbm>>) target(%arg5 : memref<128xi32, #tpu.memory_space<vmem>>) target_semaphore(%arg9 : memref<!tpu.dma_semaphore, #tpu.memory_space<semaphore_mem>>)
    %mul3A_19 = arith.constant 80 : i32
    %mul3A_20 = arith.muli %add3A, %mul3A_19 : i32
    %add3A_21 = arith.constant 1 : i32
    %add3A_22 = arith.addi %mul3A_20, %add3A_21 : i32
    %dma_start3A_23 = arith.constant 0 : i32
    %dma_start3A_24 = tpu.memref_slice %arg2[%add3A_22, %dma_start3A_23] : memref<2560x128xi32, #tpu.memory_space<hbm>> -> memref<1x128xi32, #tpu.memory_space<hbm>>
    %dma_start3A_25 = tpu.memref_squeeze %dma_start3A_24 : memref<1x128xi32, #tpu.memory_space<hbm>> -> memref<128xi32, #tpu.memory_space<hbm>>
    %dma_start3A_26 = arith.constant 0 : i32
    %dma_start3A_27 = tpu.memref_slice %arg2[%add3A_22, %dma_start3A_26] : memref<2560x128xi32, #tpu.memory_space<hbm>> -> memref<1x128xi32, #tpu.memory_space<hbm>>
    %dma_start3A_28 = tpu.memref_squeeze %dma_start3A_27 : memref<1x128xi32, #tpu.memory_space<hbm>> -> memref<128xi32, #tpu.memory_space<hbm>>
    tpu.enqueue_dma source(%dma_start3A_28 : memref<128xi32, #tpu.memory_space<hbm>>) target(%arg6 : memref<128xi32, #tpu.memory_space<vmem>>) target_semaphore(%arg10 : memref<!tpu.dma_semaphore, #tpu.memory_space<semaphore_mem>>)
    %scan3A_29 = arith.constant 0 : i32
    %scan3A_30 = arith.constant 39 : i32
    %scan3A_31 = arith.addi %scan3A_29, %scan3A_30 : i32
    %scan3A_32 = arith.constant 1 : i32
    scf.for %scan3A_59 = %scan3A_29 to %scan3A_31 step %scan3A_32  : i32 {
      %mul3A_60 = arith.constant 2 : i32
      %mul3A_61 = arith.muli %scan3A_59, %mul3A_60 : i32
      %add3A_62 = arith.constant 0 : i32
      %add3A_63 = arith.addi %add3A_62, %mul3A_61 : i32
      %mul3A_64 = arith.constant 80 : i32
      %mul3A_65 = arith.muli %add3A, %mul3A_64 : i32
      %add3A_66 = arith.addi %mul3A_65, %add3A_63 : i32
      %dma_wait3A_67 = arith.constant 0 : i32
      %dma_wait3A_68 = tpu.memref_slice %arg2[%add3A_66, %dma_wait3A_67] : memref<2560x128xi32, #tpu.memory_space<hbm>> -> memref<1x128xi32, #tpu.memory_space<hbm>>
      %dma_wait3A_69 = tpu.memref_squeeze %dma_wait3A_68 : memref<1x128xi32, #tpu.memory_space<hbm>> -> memref<128xi32, #tpu.memory_space<hbm>>
      %dma_wait3A_70 = arith.constant 0 : i32
      %dma_wait3A_71 = tpu.memref_slice %arg2[%add3A_66, %dma_wait3A_70] : memref<2560x128xi32, #tpu.memory_space<hbm>> -> memref<1x128xi32, #tpu.memory_space<hbm>>
      %dma_wait3A_72 = tpu.memref_squeeze %dma_wait3A_71 : memref<1x128xi32, #tpu.memory_space<hbm>> -> memref<128xi32, #tpu.memory_space<hbm>>
      tpu.wait_dma2 semaphore(%arg9 : memref<!tpu.dma_semaphore, #tpu.memory_space<semaphore_mem>>) src(%dma_wait3A_72 : memref<128xi32, #tpu.memory_space<hbm>>) dst(%arg5 : memref<128xi32, #tpu.memory_space<vmem>>)
      "tpu.region"() ({
        %run_scoped3A = tpu.sem_alloc : memref<!tpu.dma_semaphore, #tpu.memory_space<semaphore_mem>>
        %dma_start3A_106 = arith.constant 0 : i32
        %dma_start3A_107 = arith.constant 0 : i32
        %dma_start3A_108 = tpu.memref_slice %arg4[%dma_start3A_106, %dma_start3A_107] : memref<10240x16xf32, #tpu.memory_space<vmem_shared>> -> memref<10240x16xf32, #tpu.memory_space<vmem_shared>>
        tpu.enqueue_indirect_dma source(%arg7 : memref<128x16xf32, #tpu.memory_space<vmem>>) target(%dma_start3A_108 : memref<10240x16xf32, #tpu.memory_space<vmem_shared>>) offsets(%arg5 : memref<128xi32, #tpu.memory_space<vmem>>) semaphore(%run_scoped3A : memref<!tpu.dma_semaphore, #tpu.memory_space<semaphore_mem>>) {add = true}
        %dma_wait3A_109 = arith.constant 0 : i32
        %dma_wait3A_110 = arith.constant 0 : i32
        %dma_wait3A_111 = tpu.memref_slice %arg4[%dma_wait3A_109, %dma_wait3A_110] : memref<10240x16xf32, #tpu.memory_space<vmem_shared>> -> memref<10240x16xf32, #tpu.memory_space<vmem_shared>>
        tpu.wait_indirect_dma semaphore(%run_scoped3A : memref<!tpu.dma_semaphore, #tpu.memory_space<semaphore_mem>>) src(%arg7 : memref<128x16xf32, #tpu.memory_space<vmem>>) dst(%dma_wait3A_111 : memref<10240x16xf32, #tpu.memory_space<vmem_shared>>)
        tpu.yield
      }) : () -> ()
      %add3A_73 = arith.constant 2 : i32
      %add3A_74 = arith.addi %add3A_63, %add3A_73 : i32
      %mul3A_75 = arith.constant 80 : i32
      %mul3A_76 = arith.muli %add3A, %mul3A_75 : i32
      %add3A_77 = arith.addi %mul3A_76, %add3A_74 : i32
      %dma_start3A_78 = arith.constant 0 : i32
      %dma_start3A_79 = tpu.memref_slice %arg2[%add3A_77, %dma_start3A_78] : memref<2560x128xi32, #tpu.memory_space<hbm>> -> memref<1x128xi32, #tpu.memory_space<hbm>>
      %dma_start3A_80 = tpu.memref_squeeze %dma_start3A_79 : memref<1x128xi32, #tpu.memory_space<hbm>> -> memref<128xi32, #tpu.memory_space<hbm>>
      %dma_start3A_81 = arith.constant 0 : i32
      %dma_start3A_82 = tpu.memref_slice %arg2[%add3A_77, %dma_start3A_81] : memref<2560x128xi32, #tpu.memory_space<hbm>> -> memref<1x128xi32, #tpu.memory_space<hbm>>
      %dma_start3A_83 = tpu.memref_squeeze %dma_start3A_82 : memref<1x128xi32, #tpu.memory_space<hbm>> -> memref<128xi32, #tpu.memory_space<hbm>>
      tpu.enqueue_dma source(%dma_start3A_83 : memref<128xi32, #tpu.memory_space<hbm>>) target(%arg5 : memref<128xi32, #tpu.memory_space<vmem>>) target_semaphore(%arg9 : memref<!tpu.dma_semaphore, #tpu.memory_space<semaphore_mem>>)
      %add3A_84 = arith.constant 1 : i32
      %add3A_85 = arith.addi %add3A_63, %add3A_84 : i32
      %mul3A_86 = arith.constant 80 : i32
      %mul3A_87 = arith.muli %add3A, %mul3A_86 : i32
      %add3A_88 = arith.addi %mul3A_87, %add3A_85 : i32
      %dma_wait3A_89 = arith.constant 0 : i32
      %dma_wait3A_90 = tpu.memref_slice %arg2[%add3A_88, %dma_wait3A_89] : memref<2560x128xi32, #tpu.memory_space<hbm>> -> memref<1x128xi32, #tpu.memory_space<hbm>>
      %dma_wait3A_91 = tpu.memref_squeeze %dma_wait3A_90 : memref<1x128xi32, #tpu.memory_space<hbm>> -> memref<128xi32, #tpu.memory_space<hbm>>
      %dma_wait3A_92 = arith.constant 0 : i32
      %dma_wait3A_93 = tpu.memref_slice %arg2[%add3A_88, %dma_wait3A_92] : memref<2560x128xi32, #tpu.memory_space<hbm>> -> memref<1x128xi32, #tpu.memory_space<hbm>>
      %dma_wait3A_94 = tpu.memref_squeeze %dma_wait3A_93 : memref<1x128xi32, #tpu.memory_space<hbm>> -> memref<128xi32, #tpu.memory_space<hbm>>
      tpu.wait_dma2 semaphore(%arg10 : memref<!tpu.dma_semaphore, #tpu.memory_space<semaphore_mem>>) src(%dma_wait3A_94 : memref<128xi32, #tpu.memory_space<hbm>>) dst(%arg6 : memref<128xi32, #tpu.memory_space<vmem>>)
      "tpu.region"() ({
        %run_scoped3A = tpu.sem_alloc : memref<!tpu.dma_semaphore, #tpu.memory_space<semaphore_mem>>
        %dma_start3A_106 = arith.constant 0 : i32
        %dma_start3A_107 = arith.constant 0 : i32
        %dma_start3A_108 = tpu.memref_slice %arg4[%dma_start3A_106, %dma_start3A_107] : memref<10240x16xf32, #tpu.memory_space<vmem_shared>> -> memref<10240x16xf32, #tpu.memory_space<vmem_shared>>
        tpu.enqueue_indirect_dma source(%arg7 : memref<128x16xf32, #tpu.memory_space<vmem>>) target(%dma_start3A_108 : memref<10240x16xf32, #tpu.memory_space<vmem_shared>>) offsets(%arg6 : memref<128xi32, #tpu.memory_space<vmem>>) semaphore(%run_scoped3A : memref<!tpu.dma_semaphore, #tpu.memory_space<semaphore_mem>>) {add = true}
        %dma_wait3A_109 = arith.constant 0 : i32
        %dma_wait3A_110 = arith.constant 0 : i32
        %dma_wait3A_111 = tpu.memref_slice %arg4[%dma_wait3A_109, %dma_wait3A_110] : memref<10240x16xf32, #tpu.memory_space<vmem_shared>> -> memref<10240x16xf32, #tpu.memory_space<vmem_shared>>
        tpu.wait_indirect_dma semaphore(%run_scoped3A : memref<!tpu.dma_semaphore, #tpu.memory_space<semaphore_mem>>) src(%arg7 : memref<128x16xf32, #tpu.memory_space<vmem>>) dst(%dma_wait3A_111 : memref<10240x16xf32, #tpu.memory_space<vmem_shared>>)
        tpu.yield
      }) : () -> ()
      %add3A_95 = arith.constant 3 : i32
      %add3A_96 = arith.addi %add3A_63, %add3A_95 : i32
      %mul3A_97 = arith.constant 80 : i32
      %mul3A_98 = arith.muli %add3A, %mul3A_97 : i32
      %add3A_99 = arith.addi %mul3A_98, %add3A_96 : i32
      %dma_start3A_100 = arith.constant 0 : i32
      %dma_start3A_101 = tpu.memref_slice %arg2[%add3A_99, %dma_start3A_100] : memref<2560x128xi32, #tpu.memory_space<hbm>> -> memref<1x128xi32, #tpu.memory_space<hbm>>
      %dma_start3A_102 = tpu.memref_squeeze %dma_start3A_101 : memref<1x128xi32, #tpu.memory_space<hbm>> -> memref<128xi32, #tpu.memory_space<hbm>>
      %dma_start3A_103 = arith.constant 0 : i32
      %dma_start3A_104 = tpu.memref_slice %arg2[%add3A_99, %dma_start3A_103] : memref<2560x128xi32, #tpu.memory_space<hbm>> -> memref<1x128xi32, #tpu.memory_space<hbm>>
      %dma_start3A_105 = tpu.memref_squeeze %dma_start3A_104 : memref<1x128xi32, #tpu.memory_space<hbm>> -> memref<128xi32, #tpu.memory_space<hbm>>
      tpu.enqueue_dma source(%dma_start3A_105 : memref<128xi32, #tpu.memory_space<hbm>>) target(%arg6 : memref<128xi32, #tpu.memory_space<vmem>>) target_semaphore(%arg10 : memref<!tpu.dma_semaphore, #tpu.memory_space<semaphore_mem>>)
    }
    %scan3A_33 = arith.constant 39 : i32
    %mul3A_34 = arith.constant 80 : i32
    %mul3A_35 = arith.muli %add3A, %mul3A_34 : i32
    %add3A_36 = arith.constant 78 : i32
    %add3A_37 = arith.addi %mul3A_35, %add3A_36 : i32
    %dma_wait3A = arith.constant 0 : i32
    %dma_wait3A_38 = tpu.memref_slice %arg2[%add3A_37, %dma_wait3A] : memref<2560x128xi32, #tpu.memory_space<hbm>> -> memref<1x128xi32, #tpu.memory_space<hbm>>
    %dma_wait3A_39 = tpu.memref_squeeze %dma_wait3A_38 : memref<1x128xi32, #tpu.memory_space<hbm>> -> memref<128xi32, #tpu.memory_space<hbm>>
    %dma_wait3A_40 = arith.constant 0 : i32
    %dma_wait3A_41 = tpu.memref_slice %arg2[%add3A_37, %dma_wait3A_40] : memref<2560x128xi32, #tpu.memory_space<hbm>> -> memref<1x128xi32, #tpu.memory_space<hbm>>
    %dma_wait3A_42 = tpu.memref_squeeze %dma_wait3A_41 : memref<1x128xi32, #tpu.memory_space<hbm>> -> memref<128xi32, #tpu.memory_space<hbm>>
    tpu.wait_dma2 semaphore(%arg9 : memref<!tpu.dma_semaphore, #tpu.memory_space<semaphore_mem>>) src(%dma_wait3A_42 : memref<128xi32, #tpu.memory_space<hbm>>) dst(%arg5 : memref<128xi32, #tpu.memory_space<vmem>>)
    "tpu.region"() ({
      %run_scoped3A = tpu.sem_alloc : memref<!tpu.dma_semaphore, #tpu.memory_space<semaphore_mem>>
      %dma_start3A_59 = arith.constant 0 : i32
      %dma_start3A_60 = arith.constant 0 : i32
      %dma_start3A_61 = tpu.memref_slice %arg4[%dma_start3A_59, %dma_start3A_60] : memref<10240x16xf32, #tpu.memory_space<vmem_shared>> -> memref<10240x16xf32, #tpu.memory_space<vmem_shared>>
      tpu.enqueue_indirect_dma source(%arg7 : memref<128x16xf32, #tpu.memory_space<vmem>>) target(%dma_start3A_61 : memref<10240x16xf32, #tpu.memory_space<vmem_shared>>) offsets(%arg5 : memref<128xi32, #tpu.memory_space<vmem>>) semaphore(%run_scoped3A : memref<!tpu.dma_semaphore, #tpu.memory_space<semaphore_mem>>) {add = true}
      %dma_wait3A_62 = arith.constant 0 : i32
      %dma_wait3A_63 = arith.constant 0 : i32
      %dma_wait3A_64 = tpu.memref_slice %arg4[%dma_wait3A_62, %dma_wait3A_63] : memref<10240x16xf32, #tpu.memory_space<vmem_shared>> -> memref<10240x16xf32, #tpu.memory_space<vmem_shared>>
      tpu.wait_indirect_dma semaphore(%run_scoped3A : memref<!tpu.dma_semaphore, #tpu.memory_space<semaphore_mem>>) src(%arg7 : memref<128x16xf32, #tpu.memory_space<vmem>>) dst(%dma_wait3A_64 : memref<10240x16xf32, #tpu.memory_space<vmem_shared>>)
      tpu.yield
    }) : () -> ()
    %mul3A_43 = arith.constant 80 : i32
    %mul3A_44 = arith.muli %add3A, %mul3A_43 : i32
    %add3A_45 = arith.constant 79 : i32
    %add3A_46 = arith.addi %mul3A_44, %add3A_45 : i32
    %dma_wait3A_47 = arith.constant 0 : i32
    %dma_wait3A_48 = tpu.memref_slice %arg2[%add3A_46, %dma_wait3A_47] : memref<2560x128xi32, #tpu.memory_space<hbm>> -> memref<1x128xi32, #tpu.memory_space<hbm>>
    %dma_wait3A_49 = tpu.memref_squeeze %dma_wait3A_48 : memref<1x128xi32, #tpu.memory_space<hbm>> -> memref<128xi32, #tpu.memory_space<hbm>>
    %dma_wait3A_50 = arith.constant 0 : i32
    %dma_wait3A_51 = tpu.memref_slice %arg2[%add3A_46, %dma_wait3A_50] : memref<2560x128xi32, #tpu.memory_space<hbm>> -> memref<1x128xi32, #tpu.memory_space<hbm>>
    %dma_wait3A_52 = tpu.memref_squeeze %dma_wait3A_51 : memref<1x128xi32, #tpu.memory_space<hbm>> -> memref<128xi32, #tpu.memory_space<hbm>>
    tpu.wait_dma2 semaphore(%arg10 : memref<!tpu.dma_semaphore, #tpu.memory_space<semaphore_mem>>) src(%dma_wait3A_52 : memref<128xi32, #tpu.memory_space<hbm>>) dst(%arg6 : memref<128xi32, #tpu.memory_space<vmem>>)
    "tpu.region"() ({
      %run_scoped3A = tpu.sem_alloc : memref<!tpu.dma_semaphore, #tpu.memory_space<semaphore_mem>>
      %dma_start3A_59 = arith.constant 0 : i32
      %dma_start3A_60 = arith.constant 0 : i32
      %dma_start3A_61 = tpu.memref_slice %arg4[%dma_start3A_59, %dma_start3A_60] : memref<10240x16xf32, #tpu.memory_space<vmem_shared>> -> memref<10240x16xf32, #tpu.memory_space<vmem_shared>>
      tpu.enqueue_indirect_dma source(%arg7 : memref<128x16xf32, #tpu.memory_space<vmem>>) target(%dma_start3A_61 : memref<10240x16xf32, #tpu.memory_space<vmem_shared>>) offsets(%arg6 : memref<128xi32, #tpu.memory_space<vmem>>) semaphore(%run_scoped3A : memref<!tpu.dma_semaphore, #tpu.memory_space<semaphore_mem>>) {add = true}
      %dma_wait3A_62 = arith.constant 0 : i32
      %dma_wait3A_63 = arith.constant 0 : i32
      %dma_wait3A_64 = tpu.memref_slice %arg4[%dma_wait3A_62, %dma_wait3A_63] : memref<10240x16xf32, #tpu.memory_space<vmem_shared>> -> memref<10240x16xf32, #tpu.memory_space<vmem_shared>>
      tpu.wait_indirect_dma semaphore(%run_scoped3A : memref<!tpu.dma_semaphore, #tpu.memory_space<semaphore_mem>>) src(%arg7 : memref<128x16xf32, #tpu.memory_space<vmem>>) dst(%dma_wait3A_64 : memref<10240x16xf32, #tpu.memory_space<vmem_shared>>)
      tpu.yield
    }) : () -> ()
    %barrier3A_53 = arith.constant 0 : index
    tpu.barrier barrier_id(%barrier3A_53)
    %scan3A_54 = arith.constant 0 : i32
    %scan3A_55 = arith.constant 5 : i32
    %scan3A_56 = arith.addi %scan3A_54, %scan3A_55 : i32
    %scan3A_57 = arith.constant 1 : i32
    scf.for %scan3A_59 = %scan3A_54 to %scan3A_56 step %scan3A_57  : i32 {
      %mul3A_60 = arith.constant 1 : i32
      %mul3A_61 = arith.muli %scan3A_59, %mul3A_60 : i32
      %add3A_62 = arith.constant 0 : i32
      %add3A_63 = arith.addi %add3A_62, %mul3A_61 : i32
      %mul3A_64 = arith.constant 640 : i32
      %mul3A_65 = arith.muli %arg1, %mul3A_64 : i32
      %mul3A_66 = arith.constant 128 : i32
      %mul3A_67 = arith.muli %add3A_63, %mul3A_66 : i32
      %add3A_68 = arith.addi %mul3A_65, %mul3A_67 : i32
      "tpu.region"() ({
        %run_scoped3A = tpu.sem_alloc : memref<!tpu.dma_semaphore, #tpu.memory_space<semaphore_mem>>
        %dma_start3A_69 = arith.constant 0 : i32
        %dma_start3A_70 = tpu.memref_slice %arg3[%arg0, %add3A_68, %dma_start3A_69] : memref<2x10240x16xf32, #tpu.memory_space<hbm>> -> memref<1x128x16xf32, #tpu.memory_space<hbm>>
        %dma_start3A_71 = tpu.memref_squeeze %dma_start3A_70 : memref<1x128x16xf32, #tpu.memory_space<hbm>> -> memref<128x16xf32, #tpu.memory_space<hbm>>
        %dma_start3A_72 = arith.constant 0 : i32
        %dma_start3A_73 = tpu.memref_slice %arg4[%add3A_68, %dma_start3A_72] : memref<10240x16xf32, #tpu.memory_space<vmem_shared>> -> memref<128x16xf32, #tpu.memory_space<vmem_shared>>
        tpu.enqueue_dma source(%dma_start3A_73 : memref<128x16xf32, #tpu.memory_space<vmem_shared>>) target(%dma_start3A_71 : memref<128x16xf32, #tpu.memory_space<hbm>>) target_semaphore(%run_scoped3A : memref<!tpu.dma_semaphore, #tpu.memory_space<semaphore_mem>>)
        %dma_wait3A_74 = arith.constant 0 : i32
        %dma_wait3A_75 = tpu.memref_slice %arg3[%arg0, %add3A_68, %dma_wait3A_74] : memref<2x10240x16xf32, #tpu.memory_space<hbm>> -> memref<1x128x16xf32, #tpu.memory_space<hbm>>
        %dma_wait3A_76 = tpu.memref_squeeze %dma_wait3A_75 : memref<1x128x16xf32, #tpu.memory_space<hbm>> -> memref<128x16xf32, #tpu.memory_space<hbm>>
        %dma_wait3A_77 = arith.constant 0 : i32
        %dma_wait3A_78 = tpu.memref_slice %arg4[%add3A_68, %dma_wait3A_77] : memref<10240x16xf32, #tpu.memory_space<vmem_shared>> -> memref<128x16xf32, #tpu.memory_space<vmem_shared>>
        tpu.wait_dma2 semaphore(%run_scoped3A : memref<!tpu.dma_semaphore, #tpu.memory_space<semaphore_mem>>) src(%dma_wait3A_78 : memref<128x16xf32, #tpu.memory_space<vmem_shared>>) dst(%dma_wait3A_76 : memref<128x16xf32, #tpu.memory_space<hbm>>)
        tpu.yield
      }) : () -> ()
    }
    %scan3A_58 = arith.constant 5 : i32
    return
  }
}

#map = affine_map<(d0, d1) -> (0, 0)>
#map1 = affine_map<(d0, d1) -> (0, 0, 0)>
module attributes {stable_mosaic.version = 14 : i64} {
  func.func @agg_kernel(%arg0: i32, %arg1: i32, %arg2: memref<10240x128xf32, #tpu.memory_space<hbm>>, %arg3: memref<2560x128xi32, #tpu.memory_space<hbm>>, %arg4: memref<2560x128xi32, #tpu.memory_space<hbm>>, %arg5: memref<2x10240x128xf32, #tpu.memory_space<hbm>>, %arg6: memref<10240x128xf32, #tpu.memory_space<vmem_shared>>, %arg7: memref<128xi32, #tpu.memory_space<vmem>>, %arg8: memref<128xi32, #tpu.memory_space<vmem>>, %arg9: memref<128xi32, #tpu.memory_space<vmem>>, %arg10: memref<128xi32, #tpu.memory_space<vmem>>, %arg11: memref<128x128xf32, #tpu.memory_space<vmem>>, %arg12: memref<128x128xf32, #tpu.memory_space<vmem>>, %arg13: memref<16x128xf32, #tpu.memory_space<vmem>>, %arg14: memref<!tpu.dma_semaphore, #tpu.memory_space<semaphore_mem>>, %arg15: memref<!tpu.dma_semaphore, #tpu.memory_space<semaphore_mem>>, %arg16: memref<!tpu.dma_semaphore, #tpu.memory_space<semaphore_mem>>, %arg17: memref<!tpu.dma_semaphore, #tpu.memory_space<semaphore_mem>>) attributes {dimension_semantics = [#tpu.dimension_semantics<core_parallel>, #tpu.dimension_semantics<subcore_parallel>], iteration_bounds = array<i64: 2, 16>, scalar_prefetch = 0 : i64, scratch_operands = 12 : i64, tpu.core_type = #tpu.core_type<sc_vector_subcore>, window_params = [{transform_indices = #map}, {transform_indices = #map}, {transform_indices = #map}, {transform_indices = #map1}]} {
    %mul3A = arith.constant 2 : i32
    %mul3A_0 = arith.muli %arg1, %mul3A : i32
    %add3A = arith.addi %mul3A_0, %arg0 : i32
    %mul3A_1 = arith.constant 80 : i32
    %mul3A_2 = arith.muli %add3A, %mul3A_1 : i32
    %scan3A = arith.constant 0 : i32
    %scan3A_3 = arith.constant 16 : i32
    %scan3A_4 = arith.addi %scan3A, %scan3A_3 : i32
    %scan3A_5 = arith.constant 1 : i32
    scf.for %scan3A_65 = %scan3A to %scan3A_4 step %scan3A_5  : i32 {
      %mul3A_66 = arith.constant 1 : i32
      %mul3A_67 = arith.muli %scan3A_65, %mul3A_66 : i32
      %add3A_68 = arith.constant 0 : i32
      %add3A_69 = arith.addi %add3A_68, %mul3A_67 : i32
      %scan3A_70 = arith.constant 0 : i32
      %scan3A_71 = arith.constant 8 : i32
      %scan3A_72 = arith.addi %scan3A_70, %scan3A_71 : i32
      %scan3A_73 = arith.constant 1 : i32
      scf.for %scan3A_75 = %scan3A_70 to %scan3A_72 step %scan3A_73  : i32 {
        %mul3A_76 = arith.constant 1 : i32
        %mul3A_77 = arith.muli %scan3A_75, %mul3A_76 : i32
        %add3A_78 = arith.constant 0 : i32
        %add3A_79 = arith.addi %add3A_78, %mul3A_77 : i32
        %broadcast_in_dim3A = arith.constant 0.000000e+00 : f32
        %broadcast_in_dim3A_80 = vector.broadcast %broadcast_in_dim3A : f32 to vector<16xf32>
        %mul3A_81 = arith.constant 16 : i32
        %mul3A_82 = arith.muli %add3A_79, %mul3A_81 : i32
        %swap3A = arith.index_cast %add3A_69 : i32 to index
        %swap3A_83 = arith.index_cast %mul3A_82 : i32 to index
        %swap3A_84 = tpu.vector_load %arg13[%swap3A, %swap3A_83] {strides = array<i32>} : memref<16x128xf32, #tpu.memory_space<vmem>>, vector<1x16xf32>,
        %swap3A_85 = vector.shape_cast %swap3A_84 : vector<1x16xf32> to vector<16xf32>
        %swap3A_86 = vector.shape_cast %broadcast_in_dim3A_80 : vector<16xf32> to vector<1x16xf32>
        tpu.vector_store %arg13[%swap3A, %swap3A_83], %swap3A_86 {strides = array<i32>} : memref<16x128xf32, #tpu.memory_space<vmem>>, vector<1x16xf32>,
      }
      %scan3A_74 = arith.constant 8 : i32
    }
    %scan3A_6 = arith.constant 16 : i32
    %scan3A_7 = arith.constant 0 : i32
    %scan3A_8 = arith.constant 40 : i32
    %scan3A_9 = arith.addi %scan3A_7, %scan3A_8 : i32
    %scan3A_10 = arith.constant 1 : i32
    scf.for %scan3A_65 = %scan3A_7 to %scan3A_9 step %scan3A_10  : i32 {
      %mul3A_66 = arith.constant 1 : i32
      %mul3A_67 = arith.muli %scan3A_65, %mul3A_66 : i32
      %add3A_68 = arith.constant 0 : i32
      %add3A_69 = arith.addi %add3A_68, %mul3A_67 : i32
      %mul3A_70 = arith.constant 640 : i32
      %mul3A_71 = arith.muli %arg1, %mul3A_70 : i32
      %mul3A_72 = arith.constant 16 : i32
      %mul3A_73 = arith.muli %add3A_69, %mul3A_72 : i32
      %add3A_74 = arith.addi %mul3A_71, %mul3A_73 : i32
      "tpu.region"() ({
        %run_scoped3A = tpu.sem_alloc : memref<!tpu.dma_semaphore, #tpu.memory_space<semaphore_mem>>
        %dma_start3A_75 = arith.constant 0 : i32
        %dma_start3A_76 = tpu.memref_slice %arg6[%add3A_74, %dma_start3A_75] : memref<10240x128xf32, #tpu.memory_space<vmem_shared>> -> memref<16x128xf32, #tpu.memory_space<vmem_shared>>
        %dma_start3A_77 = arith.constant 0 : i32
        %dma_start3A_78 = tpu.memref_slice %arg6[%add3A_74, %dma_start3A_77] : memref<10240x128xf32, #tpu.memory_space<vmem_shared>> -> memref<16x128xf32, #tpu.memory_space<vmem_shared>>
        tpu.enqueue_dma source(%arg13 : memref<16x128xf32, #tpu.memory_space<vmem>>) target(%dma_start3A_78 : memref<16x128xf32, #tpu.memory_space<vmem_shared>>) target_semaphore(%run_scoped3A : memref<!tpu.dma_semaphore, #tpu.memory_space<semaphore_mem>>)
        %dma_wait3A_79 = arith.constant 0 : i32
        %dma_wait3A_80 = tpu.memref_slice %arg6[%add3A_74, %dma_wait3A_79] : memref<10240x128xf32, #tpu.memory_space<vmem_shared>> -> memref<16x128xf32, #tpu.memory_space<vmem_shared>>
        %dma_wait3A_81 = arith.constant 0 : i32
        %dma_wait3A_82 = tpu.memref_slice %arg6[%add3A_74, %dma_wait3A_81] : memref<10240x128xf32, #tpu.memory_space<vmem_shared>> -> memref<16x128xf32, #tpu.memory_space<vmem_shared>>
        tpu.wait_dma2 semaphore(%run_scoped3A : memref<!tpu.dma_semaphore, #tpu.memory_space<semaphore_mem>>) src(%arg13 : memref<16x128xf32, #tpu.memory_space<vmem>>) dst(%dma_wait3A_82 : memref<16x128xf32, #tpu.memory_space<vmem_shared>>)
        tpu.yield
      }) : () -> ()
    }
    %scan3A_11 = arith.constant 40 : i32
    %barrier3A = arith.constant 0 : index
    tpu.barrier barrier_id(%barrier3A)
    "tpu.region"() ({
      %run_scoped3A = tpu.sem_alloc : memref<!tpu.dma_semaphore, #tpu.memory_space<semaphore_mem>>
      %dma_start3A_65 = arith.constant 0 : i32
      %dma_start3A_66 = tpu.memref_slice %arg3[%mul3A_2, %dma_start3A_65] : memref<2560x128xi32, #tpu.memory_space<hbm>> -> memref<1x128xi32, #tpu.memory_space<hbm>>
      %dma_start3A_67 = tpu.memref_squeeze %dma_start3A_66 : memref<1x128xi32, #tpu.memory_space<hbm>> -> memref<128xi32, #tpu.memory_space<hbm>>
      %dma_start3A_68 = arith.constant 0 : i32
      %dma_start3A_69 = tpu.memref_slice %arg3[%mul3A_2, %dma_start3A_68] : memref<2560x128xi32, #tpu.memory_space<hbm>> -> memref<1x128xi32, #tpu.memory_space<hbm>>
      %dma_start3A_70 = tpu.memref_squeeze %dma_start3A_69 : memref<1x128xi32, #tpu.memory_space<hbm>> -> memref<128xi32, #tpu.memory_space<hbm>>
      tpu.enqueue_dma source(%dma_start3A_70 : memref<128xi32, #tpu.memory_space<hbm>>) target(%arg7 : memref<128xi32, #tpu.memory_space<vmem>>) target_semaphore(%run_scoped3A : memref<!tpu.dma_semaphore, #tpu.memory_space<semaphore_mem>>)
      %dma_wait3A_71 = arith.constant 0 : i32
      %dma_wait3A_72 = tpu.memref_slice %arg3[%mul3A_2, %dma_wait3A_71] : memref<2560x128xi32, #tpu.memory_space<hbm>> -> memref<1x128xi32, #tpu.memory_space<hbm>>
      %dma_wait3A_73 = tpu.memref_squeeze %dma_wait3A_72 : memref<1x128xi32, #tpu.memory_space<hbm>> -> memref<128xi32, #tpu.memory_space<hbm>>
      %dma_wait3A_74 = arith.constant 0 : i32
      %dma_wait3A_75 = tpu.memref_slice %arg3[%mul3A_2, %dma_wait3A_74] : memref<2560x128xi32, #tpu.memory_space<hbm>> -> memref<1x128xi32, #tpu.memory_space<hbm>>
      %dma_wait3A_76 = tpu.memref_squeeze %dma_wait3A_75 : memref<1x128xi32, #tpu.memory_space<hbm>> -> memref<128xi32, #tpu.memory_space<hbm>>
      tpu.wait_dma2 semaphore(%run_scoped3A : memref<!tpu.dma_semaphore, #tpu.memory_space<semaphore_mem>>) src(%dma_wait3A_76 : memref<128xi32, #tpu.memory_space<hbm>>) dst(%arg7 : memref<128xi32, #tpu.memory_space<vmem>>)
      tpu.yield
    }) : () -> ()
    "tpu.region"() ({
      %run_scoped3A = tpu.sem_alloc : memref<!tpu.dma_semaphore, #tpu.memory_space<semaphore_mem>>
      %dma_start3A_65 = arith.constant 0 : i32
      %dma_start3A_66 = tpu.memref_slice %arg4[%mul3A_2, %dma_start3A_65] : memref<2560x128xi32, #tpu.memory_space<hbm>> -> memref<1x128xi32, #tpu.memory_space<hbm>>
      %dma_start3A_67 = tpu.memref_squeeze %dma_start3A_66 : memref<1x128xi32, #tpu.memory_space<hbm>> -> memref<128xi32, #tpu.memory_space<hbm>>
      %dma_start3A_68 = arith.constant 0 : i32
      %dma_start3A_69 = tpu.memref_slice %arg4[%mul3A_2, %dma_start3A_68] : memref<2560x128xi32, #tpu.memory_space<hbm>> -> memref<1x128xi32, #tpu.memory_space<hbm>>
      %dma_start3A_70 = tpu.memref_squeeze %dma_start3A_69 : memref<1x128xi32, #tpu.memory_space<hbm>> -> memref<128xi32, #tpu.memory_space<hbm>>
      tpu.enqueue_dma source(%dma_start3A_70 : memref<128xi32, #tpu.memory_space<hbm>>) target(%arg9 : memref<128xi32, #tpu.memory_space<vmem>>) target_semaphore(%run_scoped3A : memref<!tpu.dma_semaphore, #tpu.memory_space<semaphore_mem>>)
      %dma_wait3A_71 = arith.constant 0 : i32
      %dma_wait3A_72 = tpu.memref_slice %arg4[%mul3A_2, %dma_wait3A_71] : memref<2560x128xi32, #tpu.memory_space<hbm>> -> memref<1x128xi32, #tpu.memory_space<hbm>>
      %dma_wait3A_73 = tpu.memref_squeeze %dma_wait3A_72 : memref<1x128xi32, #tpu.memory_space<hbm>> -> memref<128xi32, #tpu.memory_space<hbm>>
      %dma_wait3A_74 = arith.constant 0 : i32
      %dma_wait3A_75 = tpu.memref_slice %arg4[%mul3A_2, %dma_wait3A_74] : memref<2560x128xi32, #tpu.memory_space<hbm>> -> memref<1x128xi32, #tpu.memory_space<hbm>>
      %dma_wait3A_76 = tpu.memref_squeeze %dma_wait3A_75 : memref<1x128xi32, #tpu.memory_space<hbm>> -> memref<128xi32, #tpu.memory_space<hbm>>
      tpu.wait_dma2 semaphore(%run_scoped3A : memref<!tpu.dma_semaphore, #tpu.memory_space<semaphore_mem>>) src(%dma_wait3A_76 : memref<128xi32, #tpu.memory_space<hbm>>) dst(%arg9 : memref<128xi32, #tpu.memory_space<vmem>>)
      tpu.yield
    }) : () -> ()
    %dma_start3A = arith.constant 0 : i32
    %dma_start3A_12 = arith.constant 0 : i32
    %dma_start3A_13 = tpu.memref_slice %arg2[%dma_start3A, %dma_start3A_12] : memref<10240x128xf32, #tpu.memory_space<hbm>> -> memref<10240x128xf32, #tpu.memory_space<hbm>>
    tpu.enqueue_indirect_dma source(%dma_start3A_13 : memref<10240x128xf32, #tpu.memory_space<hbm>>) target(%arg11 : memref<128x128xf32, #tpu.memory_space<vmem>>) offsets(%arg7 : memref<128xi32, #tpu.memory_space<vmem>>) semaphore(%arg14 : memref<!tpu.dma_semaphore, #tpu.memory_space<semaphore_mem>>)
    %add3A_14 = arith.constant 1 : i32
    %add3A_15 = arith.addi %mul3A_2, %add3A_14 : i32
    %dma_start3A_16 = arith.constant 0 : i32
    %dma_start3A_17 = tpu.memref_slice %arg3[%add3A_15, %dma_start3A_16] : memref<2560x128xi32, #tpu.memory_space<hbm>> -> memref<1x128xi32, #tpu.memory_space<hbm>>
    %dma_start3A_18 = tpu.memref_squeeze %dma_start3A_17 : memref<1x128xi32, #tpu.memory_space<hbm>> -> memref<128xi32, #tpu.memory_space<hbm>>
    %dma_start3A_19 = arith.constant 0 : i32
    %dma_start3A_20 = tpu.memref_slice %arg3[%add3A_15, %dma_start3A_19] : memref<2560x128xi32, #tpu.memory_space<hbm>> -> memref<1x128xi32, #tpu.memory_space<hbm>>
    %dma_start3A_21 = tpu.memref_squeeze %dma_start3A_20 : memref<1x128xi32, #tpu.memory_space<hbm>> -> memref<128xi32, #tpu.memory_space<hbm>>
    tpu.enqueue_dma source(%dma_start3A_21 : memref<128xi32, #tpu.memory_space<hbm>>) target(%arg8 : memref<128xi32, #tpu.memory_space<vmem>>) target_semaphore(%arg17 : memref<!tpu.dma_semaphore, #tpu.memory_space<semaphore_mem>>)
    %add3A_22 = arith.constant 1 : i32
    %add3A_23 = arith.addi %mul3A_2, %add3A_22 : i32
    %dma_start3A_24 = arith.constant 0 : i32
    %dma_start3A_25 = tpu.memref_slice %arg4[%add3A_23, %dma_start3A_24] : memref<2560x128xi32, #tpu.memory_space<hbm>> -> memref<1x128xi32, #tpu.memory_space<hbm>>
    %dma_start3A_26 = tpu.memref_squeeze %dma_start3A_25 : memref<1x128xi32, #tpu.memory_space<hbm>> -> memref<128xi32, #tpu.memory_space<hbm>>
    %dma_start3A_27 = arith.constant 0 : i32
    %dma_start3A_28 = tpu.memref_slice %arg4[%add3A_23, %dma_start3A_27] : memref<2560x128xi32, #tpu.memory_space<hbm>> -> memref<1x128xi32, #tpu.memory_space<hbm>>
    %dma_start3A_29 = tpu.memref_squeeze %dma_start3A_28 : memref<1x128xi32, #tpu.memory_space<hbm>> -> memref<128xi32, #tpu.memory_space<hbm>>
    tpu.enqueue_dma source(%dma_start3A_29 : memref<128xi32, #tpu.memory_space<hbm>>) target(%arg10 : memref<128xi32, #tpu.memory_space<vmem>>) target_semaphore(%arg17 : memref<!tpu.dma_semaphore, #tpu.memory_space<semaphore_mem>>)
    %scan3A_30 = arith.constant 0 : i32
    %scan3A_31 = arith.constant 39 : i32
    %scan3A_32 = arith.addi %scan3A_30, %scan3A_31 : i32
    %scan3A_33 = arith.constant 1 : i32
    scf.for %scan3A_65 = %scan3A_30 to %scan3A_32 step %scan3A_33  : i32 {
      %mul3A_66 = arith.constant 2 : i32
      %mul3A_67 = arith.muli %scan3A_65, %mul3A_66 : i32
      %add3A_68 = arith.constant 0 : i32
      %add3A_69 = arith.addi %add3A_68, %mul3A_67 : i32
      %dma_wait3A_70 = arith.constant 0 : i32
      %dma_wait3A_71 = arith.constant 0 : i32
      %dma_wait3A_72 = tpu.memref_slice %arg2[%dma_wait3A_70, %dma_wait3A_71] : memref<10240x128xf32, #tpu.memory_space<hbm>> -> memref<10240x128xf32, #tpu.memory_space<hbm>>
      tpu.wait_indirect_dma semaphore(%arg14 : memref<!tpu.dma_semaphore, #tpu.memory_space<semaphore_mem>>) src(%dma_wait3A_72 : memref<10240x128xf32, #tpu.memory_space<hbm>>) dst(%arg11 : memref<128x128xf32, #tpu.memory_space<vmem>>)
      %add3A_73 = arith.constant 1 : i32
      %add3A_74 = arith.addi %add3A_69, %add3A_73 : i32
      %add3A_75 = arith.addi %mul3A_2, %add3A_74 : i32
      %dma_wait3A_76 = arith.constant 0 : i32
      %dma_wait3A_77 = tpu.memref_slice %arg3[%add3A_75, %dma_wait3A_76] : memref<2560x128xi32, #tpu.memory_space<hbm>> -> memref<1x128xi32, #tpu.memory_space<hbm>>
      %dma_wait3A_78 = tpu.memref_squeeze %dma_wait3A_77 : memref<1x128xi32, #tpu.memory_space<hbm>> -> memref<128xi32, #tpu.memory_space<hbm>>
      %dma_wait3A_79 = arith.constant 0 : i32
      %dma_wait3A_80 = tpu.memref_slice %arg3[%add3A_75, %dma_wait3A_79] : memref<2560x128xi32, #tpu.memory_space<hbm>> -> memref<1x128xi32, #tpu.memory_space<hbm>>
      %dma_wait3A_81 = tpu.memref_squeeze %dma_wait3A_80 : memref<1x128xi32, #tpu.memory_space<hbm>> -> memref<128xi32, #tpu.memory_space<hbm>>
      tpu.wait_dma2 semaphore(%arg17 : memref<!tpu.dma_semaphore, #tpu.memory_space<semaphore_mem>>) src(%dma_wait3A_81 : memref<128xi32, #tpu.memory_space<hbm>>) dst(%arg8 : memref<128xi32, #tpu.memory_space<vmem>>)
      %add3A_82 = arith.addi %mul3A_2, %add3A_74 : i32
      %dma_wait3A_83 = arith.constant 0 : i32
      %dma_wait3A_84 = tpu.memref_slice %arg4[%add3A_82, %dma_wait3A_83] : memref<2560x128xi32, #tpu.memory_space<hbm>> -> memref<1x128xi32, #tpu.memory_space<hbm>>
      %dma_wait3A_85 = tpu.memref_squeeze %dma_wait3A_84 : memref<1x128xi32, #tpu.memory_space<hbm>> -> memref<128xi32, #tpu.memory_space<hbm>>
      %dma_wait3A_86 = arith.constant 0 : i32
      %dma_wait3A_87 = tpu.memref_slice %arg4[%add3A_82, %dma_wait3A_86] : memref<2560x128xi32, #tpu.memory_space<hbm>> -> memref<1x128xi32, #tpu.memory_space<hbm>>
      %dma_wait3A_88 = tpu.memref_squeeze %dma_wait3A_87 : memref<1x128xi32, #tpu.memory_space<hbm>> -> memref<128xi32, #tpu.memory_space<hbm>>
      tpu.wait_dma2 semaphore(%arg17 : memref<!tpu.dma_semaphore, #tpu.memory_space<semaphore_mem>>) src(%dma_wait3A_88 : memref<128xi32, #tpu.memory_space<hbm>>) dst(%arg10 : memref<128xi32, #tpu.memory_space<vmem>>)
      %dma_start3A_89 = arith.constant 0 : i32
      %dma_start3A_90 = arith.constant 0 : i32
      %dma_start3A_91 = tpu.memref_slice %arg2[%dma_start3A_89, %dma_start3A_90] : memref<10240x128xf32, #tpu.memory_space<hbm>> -> memref<10240x128xf32, #tpu.memory_space<hbm>>
      tpu.enqueue_indirect_dma source(%dma_start3A_91 : memref<10240x128xf32, #tpu.memory_space<hbm>>) target(%arg12 : memref<128x128xf32, #tpu.memory_space<vmem>>) offsets(%arg8 : memref<128xi32, #tpu.memory_space<vmem>>) semaphore(%arg15 : memref<!tpu.dma_semaphore, #tpu.memory_space<semaphore_mem>>)
      "tpu.region"() ({
        %run_scoped3A = tpu.sem_alloc : memref<!tpu.dma_semaphore, #tpu.memory_space<semaphore_mem>>
        %dma_start3A_148 = arith.constant 0 : i32
        %dma_start3A_149 = arith.constant 0 : i32
        %dma_start3A_150 = tpu.memref_slice %arg6[%dma_start3A_148, %dma_start3A_149] : memref<10240x128xf32, #tpu.memory_space<vmem_shared>> -> memref<10240x128xf32, #tpu.memory_space<vmem_shared>>
        tpu.enqueue_indirect_dma source(%arg11 : memref<128x128xf32, #tpu.memory_space<vmem>>) target(%dma_start3A_150 : memref<10240x128xf32, #tpu.memory_space<vmem_shared>>) offsets(%arg9 : memref<128xi32, #tpu.memory_space<vmem>>) semaphore(%run_scoped3A : memref<!tpu.dma_semaphore, #tpu.memory_space<semaphore_mem>>) {add = true}
        %dma_wait3A_151 = arith.constant 0 : i32
        %dma_wait3A_152 = arith.constant 0 : i32
        %dma_wait3A_153 = tpu.memref_slice %arg6[%dma_wait3A_151, %dma_wait3A_152] : memref<10240x128xf32, #tpu.memory_space<vmem_shared>> -> memref<10240x128xf32, #tpu.memory_space<vmem_shared>>
        tpu.wait_indirect_dma semaphore(%run_scoped3A : memref<!tpu.dma_semaphore, #tpu.memory_space<semaphore_mem>>) src(%arg11 : memref<128x128xf32, #tpu.memory_space<vmem>>) dst(%dma_wait3A_153 : memref<10240x128xf32, #tpu.memory_space<vmem_shared>>)
        tpu.yield
      }) : () -> ()
      %add3A_92 = arith.constant 2 : i32
      %add3A_93 = arith.addi %add3A_69, %add3A_92 : i32
      %add3A_94 = arith.addi %mul3A_2, %add3A_93 : i32
      %dma_start3A_95 = arith.constant 0 : i32
      %dma_start3A_96 = tpu.memref_slice %arg3[%add3A_94, %dma_start3A_95] : memref<2560x128xi32, #tpu.memory_space<hbm>> -> memref<1x128xi32, #tpu.memory_space<hbm>>
      %dma_start3A_97 = tpu.memref_squeeze %dma_start3A_96 : memref<1x128xi32, #tpu.memory_space<hbm>> -> memref<128xi32, #tpu.memory_space<hbm>>
      %dma_start3A_98 = arith.constant 0 : i32
      %dma_start3A_99 = tpu.memref_slice %arg3[%add3A_94, %dma_start3A_98] : memref<2560x128xi32, #tpu.memory_space<hbm>> -> memref<1x128xi32, #tpu.memory_space<hbm>>
      %dma_start3A_100 = tpu.memref_squeeze %dma_start3A_99 : memref<1x128xi32, #tpu.memory_space<hbm>> -> memref<128xi32, #tpu.memory_space<hbm>>
      tpu.enqueue_dma source(%dma_start3A_100 : memref<128xi32, #tpu.memory_space<hbm>>) target(%arg7 : memref<128xi32, #tpu.memory_space<vmem>>) target_semaphore(%arg16 : memref<!tpu.dma_semaphore, #tpu.memory_space<semaphore_mem>>)
      %add3A_101 = arith.addi %mul3A_2, %add3A_93 : i32
      %dma_start3A_102 = arith.constant 0 : i32
      %dma_start3A_103 = tpu.memref_slice %arg4[%add3A_101, %dma_start3A_102] : memref<2560x128xi32, #tpu.memory_space<hbm>> -> memref<1x128xi32, #tpu.memory_space<hbm>>
      %dma_start3A_104 = tpu.memref_squeeze %dma_start3A_103 : memref<1x128xi32, #tpu.memory_space<hbm>> -> memref<128xi32, #tpu.memory_space<hbm>>
      %dma_start3A_105 = arith.constant 0 : i32
      %dma_start3A_106 = tpu.memref_slice %arg4[%add3A_101, %dma_start3A_105] : memref<2560x128xi32, #tpu.memory_space<hbm>> -> memref<1x128xi32, #tpu.memory_space<hbm>>
      %dma_start3A_107 = tpu.memref_squeeze %dma_start3A_106 : memref<1x128xi32, #tpu.memory_space<hbm>> -> memref<128xi32, #tpu.memory_space<hbm>>
      tpu.enqueue_dma source(%dma_start3A_107 : memref<128xi32, #tpu.memory_space<hbm>>) target(%arg9 : memref<128xi32, #tpu.memory_space<vmem>>) target_semaphore(%arg16 : memref<!tpu.dma_semaphore, #tpu.memory_space<semaphore_mem>>)
      %add3A_108 = arith.constant 1 : i32
      %add3A_109 = arith.addi %add3A_69, %add3A_108 : i32
      %dma_wait3A_110 = arith.constant 0 : i32
      %dma_wait3A_111 = arith.constant 0 : i32
      %dma_wait3A_112 = tpu.memref_slice %arg2[%dma_wait3A_110, %dma_wait3A_111] : memref<10240x128xf32, #tpu.memory_space<hbm>> -> memref<10240x128xf32, #tpu.memory_space<hbm>>
      tpu.wait_indirect_dma semaphore(%arg15 : memref<!tpu.dma_semaphore, #tpu.memory_space<semaphore_mem>>) src(%dma_wait3A_112 : memref<10240x128xf32, #tpu.memory_space<hbm>>) dst(%arg12 : memref<128x128xf32, #tpu.memory_space<vmem>>)
      %add3A_113 = arith.constant 1 : i32
      %add3A_114 = arith.addi %add3A_109, %add3A_113 : i32
      %add3A_115 = arith.addi %mul3A_2, %add3A_114 : i32
      %dma_wait3A_116 = arith.constant 0 : i32
      %dma_wait3A_117 = tpu.memref_slice %arg3[%add3A_115, %dma_wait3A_116] : memref<2560x128xi32, #tpu.memory_space<hbm>> -> memref<1x128xi32, #tpu.memory_space<hbm>>
      %dma_wait3A_118 = tpu.memref_squeeze %dma_wait3A_117 : memref<1x128xi32, #tpu.memory_space<hbm>> -> memref<128xi32, #tpu.memory_space<hbm>>
      %dma_wait3A_119 = arith.constant 0 : i32
      %dma_wait3A_120 = tpu.memref_slice %arg3[%add3A_115, %dma_wait3A_119] : memref<2560x128xi32, #tpu.memory_space<hbm>> -> memref<1x128xi32, #tpu.memory_space<hbm>>
      %dma_wait3A_121 = tpu.memref_squeeze %dma_wait3A_120 : memref<1x128xi32, #tpu.memory_space<hbm>> -> memref<128xi32, #tpu.memory_space<hbm>>
      tpu.wait_dma2 semaphore(%arg16 : memref<!tpu.dma_semaphore, #tpu.memory_space<semaphore_mem>>) src(%dma_wait3A_121 : memref<128xi32, #tpu.memory_space<hbm>>) dst(%arg7 : memref<128xi32, #tpu.memory_space<vmem>>)
      %add3A_122 = arith.addi %mul3A_2, %add3A_114 : i32
      %dma_wait3A_123 = arith.constant 0 : i32
      %dma_wait3A_124 = tpu.memref_slice %arg4[%add3A_122, %dma_wait3A_123] : memref<2560x128xi32, #tpu.memory_space<hbm>> -> memref<1x128xi32, #tpu.memory_space<hbm>>
      %dma_wait3A_125 = tpu.memref_squeeze %dma_wait3A_124 : memref<1x128xi32, #tpu.memory_space<hbm>> -> memref<128xi32, #tpu.memory_space<hbm>>
      %dma_wait3A_126 = arith.constant 0 : i32
      %dma_wait3A_127 = tpu.memref_slice %arg4[%add3A_122, %dma_wait3A_126] : memref<2560x128xi32, #tpu.memory_space<hbm>> -> memref<1x128xi32, #tpu.memory_space<hbm>>
      %dma_wait3A_128 = tpu.memref_squeeze %dma_wait3A_127 : memref<1x128xi32, #tpu.memory_space<hbm>> -> memref<128xi32, #tpu.memory_space<hbm>>
      tpu.wait_dma2 semaphore(%arg16 : memref<!tpu.dma_semaphore, #tpu.memory_space<semaphore_mem>>) src(%dma_wait3A_128 : memref<128xi32, #tpu.memory_space<hbm>>) dst(%arg9 : memref<128xi32, #tpu.memory_space<vmem>>)
      %dma_start3A_129 = arith.constant 0 : i32
      %dma_start3A_130 = arith.constant 0 : i32
      %dma_start3A_131 = tpu.memref_slice %arg2[%dma_start3A_129, %dma_start3A_130] : memref<10240x128xf32, #tpu.memory_space<hbm>> -> memref<10240x128xf32, #tpu.memory_space<hbm>>
      tpu.enqueue_indirect_dma source(%dma_start3A_131 : memref<10240x128xf32, #tpu.memory_space<hbm>>) target(%arg11 : memref<128x128xf32, #tpu.memory_space<vmem>>) offsets(%arg7 : memref<128xi32, #tpu.memory_space<vmem>>) semaphore(%arg14 : memref<!tpu.dma_semaphore, #tpu.memory_space<semaphore_mem>>)
      "tpu.region"() ({
        %run_scoped3A = tpu.sem_alloc : memref<!tpu.dma_semaphore, #tpu.memory_space<semaphore_mem>>
        %dma_start3A_148 = arith.constant 0 : i32
        %dma_start3A_149 = arith.constant 0 : i32
        %dma_start3A_150 = tpu.memref_slice %arg6[%dma_start3A_148, %dma_start3A_149] : memref<10240x128xf32, #tpu.memory_space<vmem_shared>> -> memref<10240x128xf32, #tpu.memory_space<vmem_shared>>
        tpu.enqueue_indirect_dma source(%arg12 : memref<128x128xf32, #tpu.memory_space<vmem>>) target(%dma_start3A_150 : memref<10240x128xf32, #tpu.memory_space<vmem_shared>>) offsets(%arg10 : memref<128xi32, #tpu.memory_space<vmem>>) semaphore(%run_scoped3A : memref<!tpu.dma_semaphore, #tpu.memory_space<semaphore_mem>>) {add = true}
        %dma_wait3A_151 = arith.constant 0 : i32
        %dma_wait3A_152 = arith.constant 0 : i32
        %dma_wait3A_153 = tpu.memref_slice %arg6[%dma_wait3A_151, %dma_wait3A_152] : memref<10240x128xf32, #tpu.memory_space<vmem_shared>> -> memref<10240x128xf32, #tpu.memory_space<vmem_shared>>
        tpu.wait_indirect_dma semaphore(%run_scoped3A : memref<!tpu.dma_semaphore, #tpu.memory_space<semaphore_mem>>) src(%arg12 : memref<128x128xf32, #tpu.memory_space<vmem>>) dst(%dma_wait3A_153 : memref<10240x128xf32, #tpu.memory_space<vmem_shared>>)
        tpu.yield
      }) : () -> ()
      %add3A_132 = arith.constant 2 : i32
      %add3A_133 = arith.addi %add3A_109, %add3A_132 : i32
      %add3A_134 = arith.addi %mul3A_2, %add3A_133 : i32
      %dma_start3A_135 = arith.constant 0 : i32
      %dma_start3A_136 = tpu.memref_slice %arg3[%add3A_134, %dma_start3A_135] : memref<2560x128xi32, #tpu.memory_space<hbm>> -> memref<1x128xi32, #tpu.memory_space<hbm>>
      %dma_start3A_137 = tpu.memref_squeeze %dma_start3A_136 : memref<1x128xi32, #tpu.memory_space<hbm>> -> memref<128xi32, #tpu.memory_space<hbm>>
      %dma_start3A_138 = arith.constant 0 : i32
      %dma_start3A_139 = tpu.memref_slice %arg3[%add3A_134, %dma_start3A_138] : memref<2560x128xi32, #tpu.memory_space<hbm>> -> memref<1x128xi32, #tpu.memory_space<hbm>>
      %dma_start3A_140 = tpu.memref_squeeze %dma_start3A_139 : memref<1x128xi32, #tpu.memory_space<hbm>> -> memref<128xi32, #tpu.memory_space<hbm>>
      tpu.enqueue_dma source(%dma_start3A_140 : memref<128xi32, #tpu.memory_space<hbm>>) target(%arg8 : memref<128xi32, #tpu.memory_space<vmem>>) target_semaphore(%arg17 : memref<!tpu.dma_semaphore, #tpu.memory_space<semaphore_mem>>)
      %add3A_141 = arith.addi %mul3A_2, %add3A_133 : i32
      %dma_start3A_142 = arith.constant 0 : i32
      %dma_start3A_143 = tpu.memref_slice %arg4[%add3A_141, %dma_start3A_142] : memref<2560x128xi32, #tpu.memory_space<hbm>> -> memref<1x128xi32, #tpu.memory_space<hbm>>
      %dma_start3A_144 = tpu.memref_squeeze %dma_start3A_143 : memref<1x128xi32, #tpu.memory_space<hbm>> -> memref<128xi32, #tpu.memory_space<hbm>>
      %dma_start3A_145 = arith.constant 0 : i32
      %dma_start3A_146 = tpu.memref_slice %arg4[%add3A_141, %dma_start3A_145] : memref<2560x128xi32, #tpu.memory_space<hbm>> -> memref<1x128xi32, #tpu.memory_space<hbm>>
      %dma_start3A_147 = tpu.memref_squeeze %dma_start3A_146 : memref<1x128xi32, #tpu.memory_space<hbm>> -> memref<128xi32, #tpu.memory_space<hbm>>
      tpu.enqueue_dma source(%dma_start3A_147 : memref<128xi32, #tpu.memory_space<hbm>>) target(%arg10 : memref<128xi32, #tpu.memory_space<vmem>>) target_semaphore(%arg17 : memref<!tpu.dma_semaphore, #tpu.memory_space<semaphore_mem>>)
    }
    %scan3A_34 = arith.constant 39 : i32
    %dma_wait3A = arith.constant 0 : i32
    %dma_wait3A_35 = arith.constant 0 : i32
    %dma_wait3A_36 = tpu.memref_slice %arg2[%dma_wait3A, %dma_wait3A_35] : memref<10240x128xf32, #tpu.memory_space<hbm>> -> memref<10240x128xf32, #tpu.memory_space<hbm>>
    tpu.wait_indirect_dma semaphore(%arg14 : memref<!tpu.dma_semaphore, #tpu.memory_space<semaphore_mem>>) src(%dma_wait3A_36 : memref<10240x128xf32, #tpu.memory_space<hbm>>) dst(%arg11 : memref<128x128xf32, #tpu.memory_space<vmem>>)
    %add3A_37 = arith.constant 79 : i32
    %add3A_38 = arith.addi %mul3A_2, %add3A_37 : i32
    %dma_wait3A_39 = arith.constant 0 : i32
    %dma_wait3A_40 = tpu.memref_slice %arg3[%add3A_38, %dma_wait3A_39] : memref<2560x128xi32, #tpu.memory_space<hbm>> -> memref<1x128xi32, #tpu.memory_space<hbm>>
    %dma_wait3A_41 = tpu.memref_squeeze %dma_wait3A_40 : memref<1x128xi32, #tpu.memory_space<hbm>> -> memref<128xi32, #tpu.memory_space<hbm>>
    %dma_wait3A_42 = arith.constant 0 : i32
    %dma_wait3A_43 = tpu.memref_slice %arg3[%add3A_38, %dma_wait3A_42] : memref<2560x128xi32, #tpu.memory_space<hbm>> -> memref<1x128xi32, #tpu.memory_space<hbm>>
    %dma_wait3A_44 = tpu.memref_squeeze %dma_wait3A_43 : memref<1x128xi32, #tpu.memory_space<hbm>> -> memref<128xi32, #tpu.memory_space<hbm>>
    tpu.wait_dma2 semaphore(%arg17 : memref<!tpu.dma_semaphore, #tpu.memory_space<semaphore_mem>>) src(%dma_wait3A_44 : memref<128xi32, #tpu.memory_space<hbm>>) dst(%arg8 : memref<128xi32, #tpu.memory_space<vmem>>)
    %add3A_45 = arith.constant 79 : i32
    %add3A_46 = arith.addi %mul3A_2, %add3A_45 : i32
    %dma_wait3A_47 = arith.constant 0 : i32
    %dma_wait3A_48 = tpu.memref_slice %arg4[%add3A_46, %dma_wait3A_47] : memref<2560x128xi32, #tpu.memory_space<hbm>> -> memref<1x128xi32, #tpu.memory_space<hbm>>
    %dma_wait3A_49 = tpu.memref_squeeze %dma_wait3A_48 : memref<1x128xi32, #tpu.memory_space<hbm>> -> memref<128xi32, #tpu.memory_space<hbm>>
    %dma_wait3A_50 = arith.constant 0 : i32
    %dma_wait3A_51 = tpu.memref_slice %arg4[%add3A_46, %dma_wait3A_50] : memref<2560x128xi32, #tpu.memory_space<hbm>> -> memref<1x128xi32, #tpu.memory_space<hbm>>
    %dma_wait3A_52 = tpu.memref_squeeze %dma_wait3A_51 : memref<1x128xi32, #tpu.memory_space<hbm>> -> memref<128xi32, #tpu.memory_space<hbm>>
    tpu.wait_dma2 semaphore(%arg17 : memref<!tpu.dma_semaphore, #tpu.memory_space<semaphore_mem>>) src(%dma_wait3A_52 : memref<128xi32, #tpu.memory_space<hbm>>) dst(%arg10 : memref<128xi32, #tpu.memory_space<vmem>>)
    %dma_start3A_53 = arith.constant 0 : i32
    %dma_start3A_54 = arith.constant 0 : i32
    %dma_start3A_55 = tpu.memref_slice %arg2[%dma_start3A_53, %dma_start3A_54] : memref<10240x128xf32, #tpu.memory_space<hbm>> -> memref<10240x128xf32, #tpu.memory_space<hbm>>
    tpu.enqueue_indirect_dma source(%dma_start3A_55 : memref<10240x128xf32, #tpu.memory_space<hbm>>) target(%arg12 : memref<128x128xf32, #tpu.memory_space<vmem>>) offsets(%arg8 : memref<128xi32, #tpu.memory_space<vmem>>) semaphore(%arg15 : memref<!tpu.dma_semaphore, #tpu.memory_space<semaphore_mem>>)
    "tpu.region"() ({
      %run_scoped3A = tpu.sem_alloc : memref<!tpu.dma_semaphore, #tpu.memory_space<semaphore_mem>>
      %dma_start3A_65 = arith.constant 0 : i32
      %dma_start3A_66 = arith.constant 0 : i32
      %dma_start3A_67 = tpu.memref_slice %arg6[%dma_start3A_65, %dma_start3A_66] : memref<10240x128xf32, #tpu.memory_space<vmem_shared>> -> memref<10240x128xf32, #tpu.memory_space<vmem_shared>>
      tpu.enqueue_indirect_dma source(%arg11 : memref<128x128xf32, #tpu.memory_space<vmem>>) target(%dma_start3A_67 : memref<10240x128xf32, #tpu.memory_space<vmem_shared>>) offsets(%arg9 : memref<128xi32, #tpu.memory_space<vmem>>) semaphore(%run_scoped3A : memref<!tpu.dma_semaphore, #tpu.memory_space<semaphore_mem>>) {add = true}
      %dma_wait3A_68 = arith.constant 0 : i32
      %dma_wait3A_69 = arith.constant 0 : i32
      %dma_wait3A_70 = tpu.memref_slice %arg6[%dma_wait3A_68, %dma_wait3A_69] : memref<10240x128xf32, #tpu.memory_space<vmem_shared>> -> memref<10240x128xf32, #tpu.memory_space<vmem_shared>>
      tpu.wait_indirect_dma semaphore(%run_scoped3A : memref<!tpu.dma_semaphore, #tpu.memory_space<semaphore_mem>>) src(%arg11 : memref<128x128xf32, #tpu.memory_space<vmem>>) dst(%dma_wait3A_70 : memref<10240x128xf32, #tpu.memory_space<vmem_shared>>)
      tpu.yield
    }) : () -> ()
    %dma_wait3A_56 = arith.constant 0 : i32
    %dma_wait3A_57 = arith.constant 0 : i32
    %dma_wait3A_58 = tpu.memref_slice %arg2[%dma_wait3A_56, %dma_wait3A_57] : memref<10240x128xf32, #tpu.memory_space<hbm>> -> memref<10240x128xf32, #tpu.memory_space<hbm>>
    tpu.wait_indirect_dma semaphore(%arg15 : memref<!tpu.dma_semaphore, #tpu.memory_space<semaphore_mem>>) src(%dma_wait3A_58 : memref<10240x128xf32, #tpu.memory_space<hbm>>) dst(%arg12 : memref<128x128xf32, #tpu.memory_space<vmem>>)
    "tpu.region"() ({
      %run_scoped3A = tpu.sem_alloc : memref<!tpu.dma_semaphore, #tpu.memory_space<semaphore_mem>>
      %dma_start3A_65 = arith.constant 0 : i32
      %dma_start3A_66 = arith.constant 0 : i32
      %dma_start3A_67 = tpu.memref_slice %arg6[%dma_start3A_65, %dma_start3A_66] : memref<10240x128xf32, #tpu.memory_space<vmem_shared>> -> memref<10240x128xf32, #tpu.memory_space<vmem_shared>>
      tpu.enqueue_indirect_dma source(%arg12 : memref<128x128xf32, #tpu.memory_space<vmem>>) target(%dma_start3A_67 : memref<10240x128xf32, #tpu.memory_space<vmem_shared>>) offsets(%arg10 : memref<128xi32, #tpu.memory_space<vmem>>) semaphore(%run_scoped3A : memref<!tpu.dma_semaphore, #tpu.memory_space<semaphore_mem>>) {add = true}
      %dma_wait3A_68 = arith.constant 0 : i32
      %dma_wait3A_69 = arith.constant 0 : i32
      %dma_wait3A_70 = tpu.memref_slice %arg6[%dma_wait3A_68, %dma_wait3A_69] : memref<10240x128xf32, #tpu.memory_space<vmem_shared>> -> memref<10240x128xf32, #tpu.memory_space<vmem_shared>>
      tpu.wait_indirect_dma semaphore(%run_scoped3A : memref<!tpu.dma_semaphore, #tpu.memory_space<semaphore_mem>>) src(%arg12 : memref<128x128xf32, #tpu.memory_space<vmem>>) dst(%dma_wait3A_70 : memref<10240x128xf32, #tpu.memory_space<vmem_shared>>)
      tpu.yield
    }) : () -> ()
    %barrier3A_59 = arith.constant 0 : index
    tpu.barrier barrier_id(%barrier3A_59)
    %scan3A_60 = arith.constant 0 : i32
    %scan3A_61 = arith.constant 5 : i32
    %scan3A_62 = arith.addi %scan3A_60, %scan3A_61 : i32
    %scan3A_63 = arith.constant 1 : i32
    scf.for %scan3A_65 = %scan3A_60 to %scan3A_62 step %scan3A_63  : i32 {
      %mul3A_66 = arith.constant 1 : i32
      %mul3A_67 = arith.muli %scan3A_65, %mul3A_66 : i32
      %add3A_68 = arith.constant 0 : i32
      %add3A_69 = arith.addi %add3A_68, %mul3A_67 : i32
      %mul3A_70 = arith.constant 640 : i32
      %mul3A_71 = arith.muli %arg1, %mul3A_70 : i32
      %mul3A_72 = arith.constant 128 : i32
      %mul3A_73 = arith.muli %add3A_69, %mul3A_72 : i32
      %add3A_74 = arith.addi %mul3A_71, %mul3A_73 : i32
      "tpu.region"() ({
        %run_scoped3A = tpu.sem_alloc : memref<!tpu.dma_semaphore, #tpu.memory_space<semaphore_mem>>
        %dma_start3A_75 = arith.constant 0 : i32
        %dma_start3A_76 = tpu.memref_slice %arg5[%arg0, %add3A_74, %dma_start3A_75] : memref<2x10240x128xf32, #tpu.memory_space<hbm>> -> memref<1x128x128xf32, #tpu.memory_space<hbm>>
        %dma_start3A_77 = tpu.memref_squeeze %dma_start3A_76 : memref<1x128x128xf32, #tpu.memory_space<hbm>> -> memref<128x128xf32, #tpu.memory_space<hbm>>
        %dma_start3A_78 = arith.constant 0 : i32
        %dma_start3A_79 = tpu.memref_slice %arg6[%add3A_74, %dma_start3A_78] : memref<10240x128xf32, #tpu.memory_space<vmem_shared>> -> memref<128x128xf32, #tpu.memory_space<vmem_shared>>
        tpu.enqueue_dma source(%dma_start3A_79 : memref<128x128xf32, #tpu.memory_space<vmem_shared>>) target(%dma_start3A_77 : memref<128x128xf32, #tpu.memory_space<hbm>>) target_semaphore(%run_scoped3A : memref<!tpu.dma_semaphore, #tpu.memory_space<semaphore_mem>>)
        %dma_wait3A_80 = arith.constant 0 : i32
        %dma_wait3A_81 = tpu.memref_slice %arg5[%arg0, %add3A_74, %dma_wait3A_80] : memref<2x10240x128xf32, #tpu.memory_space<hbm>> -> memref<1x128x128xf32, #tpu.memory_space<hbm>>
        %dma_wait3A_82 = tpu.memref_squeeze %dma_wait3A_81 : memref<1x128x128xf32, #tpu.memory_space<hbm>> -> memref<128x128xf32, #tpu.memory_space<hbm>>
        %dma_wait3A_83 = arith.constant 0 : i32
        %dma_wait3A_84 = tpu.memref_slice %arg6[%add3A_74, %dma_wait3A_83] : memref<10240x128xf32, #tpu.memory_space<vmem_shared>> -> memref<128x128xf32, #tpu.memory_space<vmem_shared>>
        tpu.wait_dma2 semaphore(%run_scoped3A : memref<!tpu.dma_semaphore, #tpu.memory_space<semaphore_mem>>) src(%dma_wait3A_84 : memref<128x128xf32, #tpu.memory_space<vmem_shared>>) dst(%dma_wait3A_82 : memref<128x128xf32, #tpu.memory_space<hbm>>)
        tpu.yield
      }) : () -> ()
    }
    %scan3A_64 = arith.constant 5 : i32
    return
  }
}

module attributes {stable_mosaic.version = 14 : i64} {
  func.func @body(%arg0: i32, %arg1: memref<1024x128xf32, #tpu.memory_space<vmem>>, %arg2: memref<128x64xf32, #tpu.memory_space<vmem>>, %arg3: memref<2x1024x16xf32, #tpu.memory_space<vmem>>, %arg4: memref<1024x64xf32, #tpu.memory_space<vmem>>, %arg5: memref<1024x1xf32, #tpu.memory_space<vmem>>) attributes {dimension_semantics = [#tpu.dimension_semantics<arbitrary>], iteration_bounds = array<i64: 10>, scalar_prefetch = 0 : i64, scratch_operands = 0 : i64, tpu.core_type = #tpu.core_type<tc>, window_params = [{transform_indices = @transform_0, window_bounds = array<i64: 1024, 128>}, {pipeline_mode = #tpu.pipeline_mode<synchronous>, transform_indices = @transform_1, window_bounds = array<i64: 128, 64>}, {transform_indices = @transform_2, window_bounds = array<i64: 2, 1024, 16>}, {transform_indices = @transform_3, window_bounds = array<i64: 1024, 64>}, {transform_indices = @transform_4, window_bounds = array<i64: 1024, 1>}]} {
    %get3A = arith.constant 0 : index
    %get3A_0 = arith.constant 0 : index
    %get3A_1 = arith.constant 0 : index
    %get3A_2 = vector.load %arg3[%get3A, %get3A_0, %get3A_1] : memref<2x1024x16xf32, #tpu.memory_space<vmem>>, vector<1x1024x1xf32>
    %get3A_3 = vector.shape_cast %get3A_2 : vector<1x1024x1xf32> to vector<1024x1xf32>
    %get3A_4 = arith.constant 1 : index
    %get3A_5 = arith.constant 0 : index
    %get3A_6 = arith.constant 0 : index
    %get3A_7 = vector.load %arg3[%get3A_4, %get3A_5, %get3A_6] : memref<2x1024x16xf32, #tpu.memory_space<vmem>>, vector<1x1024x1xf32>
    %get3A_8 = vector.shape_cast %get3A_7 : vector<1x1024x1xf32> to vector<1024x1xf32>
    %add3A = arith.addf %get3A_3, %get3A_8 : vector<1024x1xf32>
    %add3A_9 = arith.constant 1.000000e+00 : f32
    %add3A_10 = vector.broadcast %add3A_9 : f32 to vector<1024x1xf32>
    %add3A_11 = arith.addf %add3A, %add3A_10 : vector<1024x1xf32>
    %iota3A = tpu.iota {dimensions = array<i32: 0>} : vector<1024x1xi32>
    %mul3A = arith.constant 1024 : i32
    %mul3A_12 = arith.muli %arg0, %mul3A : i32
    %add3A_13 = vector.broadcast %mul3A_12 : i32 to vector<1024x1xi32>
    %add3A_14 = arith.addi %iota3A, %add3A_13 : vector<1024x1xi32>
    %lt3A = arith.constant 10000 : i32
    %lt3A_15 = vector.broadcast %lt3A : i32 to vector<1024x1xi32>
    %lt3A_16 = arith.cmpi slt, %add3A_14, %lt3A_15 : vector<1024x1xi32>
    %rsqrt3A = math.rsqrt %add3A_11 : vector<1024x1xf32>
    %jit3A = arith.constant 0.000000e+00 : f32
    %broadcast_in_dim3A = vector.broadcast %jit3A : f32 to vector<1024x1xf32>
    %select_n3A = arith.select %lt3A_16, %rsqrt3A, %broadcast_in_dim3A : vector<1024x1xi1>, vector<1024x1xf32>
    %swap3A = arith.constant 0 : index
    %swap3A_17 = arith.constant 0 : index
    %swap3A_18 = vector.load %arg5[%swap3A, %swap3A_17] : memref<1024x1xf32, #tpu.memory_space<vmem>>, vector<1024x1xf32>
    tpu.vector_store %arg5[%swap3A, %swap3A_17], %select_n3A {strides = array<i32>} : memref<1024x1xf32, #tpu.memory_space<vmem>>, vector<1024x1xf32>,
    %get3A_19 = arith.constant 0 : index
    %get3A_20 = arith.constant 0 : index
    %get3A_21 = vector.load %arg1[%get3A_19, %get3A_20] : memref<1024x128xf32, #tpu.memory_space<vmem>>, vector<1024x128xf32>
    %get3A_22 = arith.constant 0 : index
    %get3A_23 = arith.constant 0 : index
    %get3A_24 = vector.load %arg2[%get3A_22, %get3A_23] : memref<128x64xf32, #tpu.memory_space<vmem>>, vector<128x64xf32>
    %dot_general3A = arith.constant dense<0.000000e+00> : vector<1024x64xf32>
    %dot_general3A_25 = tpu.matmul %get3A_21, %get3A_24, %dot_general3A {dimension_numbers = #tpu.dot_dimension_numbers<[1], [0], [0], [1], [0, 0, 1, 1], [], []>, precision = #tpu.contract_precision<fp32>, transpose_lhs_hint = false} : vector<1024x128xf32>, vector<128x64xf32>, vector<1024x64xf32> -> vector<1024x64xf32>
    %mul3A_26 = vector.broadcast %select_n3A : vector<1024x1xf32> to vector<1024x64xf32>
    %mul3A_27 = arith.mulf %dot_general3A_25, %mul3A_26 : vector<1024x64xf32>
    %swap3A_28 = arith.constant 0 : index
    %swap3A_29 = arith.constant 0 : index
    %swap3A_30 = vector.load %arg4[%swap3A_28, %swap3A_29] : memref<1024x64xf32, #tpu.memory_space<vmem>>, vector<1024x64xf32>
    tpu.vector_store %arg4[%swap3A_28, %swap3A_29], %mul3A_27 {strides = array<i32>} : memref<1024x64xf32, #tpu.memory_space<vmem>>, vector<1024x64xf32>,
    return
  }
  func.func @transform_0(%arg0: i32) -> (i32, i32) {
    %c0_i32 = arith.constant 0 : i32
    %c0_i32_0 = arith.constant 0 : i32
    return %arg0, %c0_i32 : i32, i32
  }
  func.func @transform_1(%arg0: i32) -> (i32, i32) {
    %c0_i32 = arith.constant 0 : i32
    %c0_i32_0 = arith.constant 0 : i32
    %c0_i32_1 = arith.constant 0 : i32
    return %c0_i32, %c0_i32_0 : i32, i32
  }
  func.func @transform_2(%arg0: i32) -> (i32, i32, i32) {
    %c0_i32 = arith.constant 0 : i32
    %c0_i32_0 = arith.constant 0 : i32
    %c0_i32_1 = arith.constant 0 : i32
    return %c0_i32, %arg0, %c0_i32_0 : i32, i32, i32
  }
  func.func @transform_3(%arg0: i32) -> (i32, i32) {
    %c0_i32 = arith.constant 0 : i32
    %c0_i32_0 = arith.constant 0 : i32
    return %arg0, %c0_i32 : i32, i32
  }
  func.func @transform_4(%arg0: i32) -> (i32, i32) {
    %c0_i32 = arith.constant 0 : i32
    %c0_i32_0 = arith.constant 0 : i32
    return %arg0, %c0_i32 : i32, i32
  }
}

module attributes {stable_mosaic.version = 14 : i64} {
  func.func @body(%arg0: i32, %arg1: memref<2x1024x64xf32, #tpu.memory_space<vmem>>, %arg2: memref<1024x64xf32, #tpu.memory_space<vmem>>, %arg3: memref<1024x1xf32, #tpu.memory_space<vmem>>, %arg4: memref<1x64xf32, #tpu.memory_space<vmem>>, %arg5: memref<64x128xf32, #tpu.memory_space<vmem>>, %arg6: memref<1024x128xf32, #tpu.memory_space<vmem>>) attributes {dimension_semantics = [#tpu.dimension_semantics<arbitrary>], iteration_bounds = array<i64: 10>, scalar_prefetch = 0 : i64, scratch_operands = 0 : i64, tpu.core_type = #tpu.core_type<tc>, window_params = [{transform_indices = @transform_0, window_bounds = array<i64: 2, 1024, 64>}, {transform_indices = @transform_1, window_bounds = array<i64: 1024, 64>}, {transform_indices = @transform_2, window_bounds = array<i64: 1024, 1>}, {pipeline_mode = #tpu.pipeline_mode<synchronous>, transform_indices = @transform_3, window_bounds = array<i64: 1, 64>}, {pipeline_mode = #tpu.pipeline_mode<synchronous>, transform_indices = @transform_4, window_bounds = array<i64: 64, 128>}, {transform_indices = @transform_5, window_bounds = array<i64: 1024, 128>}]} {
    %get3A = arith.constant 0 : index
    %get3A_0 = arith.constant 0 : index
    %get3A_1 = vector.load %arg3[%get3A, %get3A_0] : memref<1024x1xf32, #tpu.memory_space<vmem>>, vector<1024x1xf32>
    %get3A_2 = arith.constant 0 : index
    %get3A_3 = arith.constant 0 : index
    %get3A_4 = arith.constant 0 : index
    %get3A_5 = vector.load %arg1[%get3A_2, %get3A_3, %get3A_4] : memref<2x1024x64xf32, #tpu.memory_space<vmem>>, vector<1x1024x64xf32>
    %get3A_6 = vector.shape_cast %get3A_5 : vector<1x1024x64xf32> to vector<1024x64xf32>
    %get3A_7 = arith.constant 1 : index
    %get3A_8 = arith.constant 0 : index
    %get3A_9 = arith.constant 0 : index
    %get3A_10 = vector.load %arg1[%get3A_7, %get3A_8, %get3A_9] : memref<2x1024x64xf32, #tpu.memory_space<vmem>>, vector<1x1024x64xf32>
    %get3A_11 = vector.shape_cast %get3A_10 : vector<1x1024x64xf32> to vector<1024x64xf32>
    %add3A = arith.addf %get3A_6, %get3A_11 : vector<1024x64xf32>
    %get3A_12 = arith.constant 0 : index
    %get3A_13 = arith.constant 0 : index
    %get3A_14 = vector.load %arg2[%get3A_12, %get3A_13] : memref<1024x64xf32, #tpu.memory_space<vmem>>, vector<1024x64xf32>
    %add3A_15 = arith.addf %add3A, %get3A_14 : vector<1024x64xf32>
    %mul3A = vector.broadcast %get3A_1 : vector<1024x1xf32> to vector<1024x64xf32>
    %mul3A_16 = arith.mulf %mul3A, %add3A_15 : vector<1024x64xf32>
    %get3A_17 = arith.constant 0 : index
    %get3A_18 = arith.constant 0 : index
    %get3A_19 = vector.load %arg4[%get3A_17, %get3A_18] : memref<1x64xf32, #tpu.memory_space<vmem>>, vector<1x64xf32>
    %add3A_20 = vector.broadcast %get3A_19 : vector<1x64xf32> to vector<1024x64xf32>
    %add3A_21 = arith.addf %mul3A_16, %add3A_20 : vector<1024x64xf32>
    %max3A = arith.constant 0.000000e+00 : f32
    %max3A_22 = vector.broadcast %max3A : f32 to vector<1024x64xf32>
    %max3A_23 = arith.maximumf %add3A_21, %max3A_22 : vector<1024x64xf32>
    %get3A_24 = arith.constant 0 : index
    %get3A_25 = arith.constant 0 : index
    %get3A_26 = vector.load %arg5[%get3A_24, %get3A_25] : memref<64x128xf32, #tpu.memory_space<vmem>>, vector<64x128xf32>
    %dot_general3A = arith.constant dense<0.000000e+00> : vector<1024x128xf32>
    %dot_general3A_27 = tpu.matmul %max3A_23, %get3A_26, %dot_general3A {dimension_numbers = #tpu.dot_dimension_numbers<[1], [0], [0], [1], [0, 0, 1, 1], [], []>, precision = #tpu.contract_precision<fp32>, transpose_lhs_hint = false} : vector<1024x64xf32>, vector<64x128xf32>, vector<1024x128xf32> -> vector<1024x128xf32>
    %mul3A_28 = vector.broadcast %get3A_1 : vector<1024x1xf32> to vector<1024x128xf32>
    %mul3A_29 = arith.mulf %mul3A_28, %dot_general3A_27 : vector<1024x128xf32>
    %swap3A = arith.constant 0 : index
    %swap3A_30 = arith.constant 0 : index
    %swap3A_31 = vector.load %arg6[%swap3A, %swap3A_30] : memref<1024x128xf32, #tpu.memory_space<vmem>>, vector<1024x128xf32>
    tpu.vector_store %arg6[%swap3A, %swap3A_30], %mul3A_29 {strides = array<i32>} : memref<1024x128xf32, #tpu.memory_space<vmem>>, vector<1024x128xf32>,
    return
  }
  func.func @transform_0(%arg0: i32) -> (i32, i32, i32) {
    %c0_i32 = arith.constant 0 : i32
    %c0_i32_0 = arith.constant 0 : i32
    %c0_i32_1 = arith.constant 0 : i32
    return %c0_i32, %arg0, %c0_i32_0 : i32, i32, i32
  }
  func.func @transform_1(%arg0: i32) -> (i32, i32) {
    %c0_i32 = arith.constant 0 : i32
    %c0_i32_0 = arith.constant 0 : i32
    return %arg0, %c0_i32 : i32, i32
  }
  func.func @transform_2(%arg0: i32) -> (i32, i32) {
    %c0_i32 = arith.constant 0 : i32
    %c0_i32_0 = arith.constant 0 : i32
    return %arg0, %c0_i32 : i32, i32
  }
  func.func @transform_3(%arg0: i32) -> (i32, i32) {
    %c0_i32 = arith.constant 0 : i32
    %c0_i32_0 = arith.constant 0 : i32
    %c0_i32_1 = arith.constant 0 : i32
    return %c0_i32, %c0_i32_0 : i32, i32
  }
  func.func @transform_4(%arg0: i32) -> (i32, i32) {
    %c0_i32 = arith.constant 0 : i32
    %c0_i32_0 = arith.constant 0 : i32
    %c0_i32_1 = arith.constant 0 : i32
    return %c0_i32, %c0_i32_0 : i32, i32
  }
  func.func @transform_5(%arg0: i32) -> (i32, i32) {
    %c0_i32 = arith.constant 0 : i32
    %c0_i32_0 = arith.constant 0 : i32
    return %arg0, %c0_i32 : i32, i32
  }
}

module attributes {stable_mosaic.version = 14 : i64} {
  func.func @body(%arg0: i32, %arg1: memref<2x2000x128xf32, #tpu.memory_space<vmem>>, %arg2: memref<2000x128xf32, #tpu.memory_space<vmem>>, %arg3: memref<2000x1xf32, #tpu.memory_space<vmem>>, %arg4: memref<1x128xf32, #tpu.memory_space<vmem>>, %arg5: memref<2000x128xf32, #tpu.memory_space<vmem>>) attributes {dimension_semantics = [#tpu.dimension_semantics<arbitrary>], iteration_bounds = array<i64: 5>, scalar_prefetch = 0 : i64, scratch_operands = 0 : i64, tpu.core_type = #tpu.core_type<tc>, window_params = [{transform_indices = @transform_0, window_bounds = array<i64: 2, 2000, 128>}, {transform_indices = @transform_1, window_bounds = array<i64: 2000, 128>}, {transform_indices = @transform_2, window_bounds = array<i64: 2000, 1>}, {pipeline_mode = #tpu.pipeline_mode<synchronous>, transform_indices = @transform_3, window_bounds = array<i64: 1, 128>}, {transform_indices = @transform_4, window_bounds = array<i64: 2000, 128>}]} {
    %get3A = arith.constant 0 : index
    %get3A_0 = arith.constant 0 : index
    %get3A_1 = vector.load %arg3[%get3A, %get3A_0] : memref<2000x1xf32, #tpu.memory_space<vmem>>, vector<2000x1xf32>
    %get3A_2 = arith.constant 0 : index
    %get3A_3 = arith.constant 0 : index
    %get3A_4 = arith.constant 0 : index
    %get3A_5 = vector.load %arg1[%get3A_2, %get3A_3, %get3A_4] : memref<2x2000x128xf32, #tpu.memory_space<vmem>>, vector<1x2000x128xf32>
    %get3A_6 = vector.shape_cast %get3A_5 : vector<1x2000x128xf32> to vector<2000x128xf32>
    %get3A_7 = arith.constant 1 : index
    %get3A_8 = arith.constant 0 : index
    %get3A_9 = arith.constant 0 : index
    %get3A_10 = vector.load %arg1[%get3A_7, %get3A_8, %get3A_9] : memref<2x2000x128xf32, #tpu.memory_space<vmem>>, vector<1x2000x128xf32>
    %get3A_11 = vector.shape_cast %get3A_10 : vector<1x2000x128xf32> to vector<2000x128xf32>
    %add3A = arith.addf %get3A_6, %get3A_11 : vector<2000x128xf32>
    %get3A_12 = arith.constant 0 : index
    %get3A_13 = arith.constant 0 : index
    %get3A_14 = vector.load %arg2[%get3A_12, %get3A_13] : memref<2000x128xf32, #tpu.memory_space<vmem>>, vector<2000x128xf32>
    %add3A_15 = arith.addf %add3A, %get3A_14 : vector<2000x128xf32>
    %mul3A = vector.broadcast %get3A_1 : vector<2000x1xf32> to vector<2000x128xf32>
    %mul3A_16 = arith.mulf %mul3A, %add3A_15 : vector<2000x128xf32>
    %get3A_17 = arith.constant 0 : index
    %get3A_18 = arith.constant 0 : index
    %get3A_19 = vector.load %arg4[%get3A_17, %get3A_18] : memref<1x128xf32, #tpu.memory_space<vmem>>, vector<1x128xf32>
    %add3A_20 = vector.broadcast %get3A_19 : vector<1x128xf32> to vector<2000x128xf32>
    %add3A_21 = arith.addf %mul3A_16, %add3A_20 : vector<2000x128xf32>
    %swap3A = arith.constant 0 : index
    %swap3A_22 = arith.constant 0 : index
    %swap3A_23 = vector.load %arg5[%swap3A, %swap3A_22] : memref<2000x128xf32, #tpu.memory_space<vmem>>, vector<2000x128xf32>
    tpu.vector_store %arg5[%swap3A, %swap3A_22], %add3A_21 {strides = array<i32>} : memref<2000x128xf32, #tpu.memory_space<vmem>>, vector<2000x128xf32>,
    return
  }
  func.func @transform_0(%arg0: i32) -> (i32, i32, i32) {
    %c0_i32 = arith.constant 0 : i32
    %c0_i32_0 = arith.constant 0 : i32
    %c0_i32_1 = arith.constant 0 : i32
    return %c0_i32, %arg0, %c0_i32_0 : i32, i32, i32
  }
  func.func @transform_1(%arg0: i32) -> (i32, i32) {
    %c0_i32 = arith.constant 0 : i32
    %c0_i32_0 = arith.constant 0 : i32
    return %arg0, %c0_i32 : i32, i32
  }
  func.func @transform_2(%arg0: i32) -> (i32, i32) {
    %c0_i32 = arith.constant 0 : i32
    %c0_i32_0 = arith.constant 0 : i32
    return %arg0, %c0_i32 : i32, i32
  }
  func.func @transform_3(%arg0: i32) -> (i32, i32) {
    %c0_i32 = arith.constant 0 : i32
    %c0_i32_0 = arith.constant 0 : i32
    %c0_i32_1 = arith.constant 0 : i32
    return %c0_i32, %c0_i32_0 : i32, i32
  }
  func.func @transform_4(%arg0: i32) -> (i32, i32) {
    %c0_i32 = arith.constant 0 : i32
    %c0_i32_0 = arith.constant 0 : i32
    return %arg0, %c0_i32 : i32, i32
  }
}

</mosaic_0001>

<sc_bundles>
// kernel: kernel.11.cloned.1.call-start
scs
__scs_entry_jumppad:
0x0: {  	(pc) =	sbr.rel $0x88, $3  }
0x1: {  	(tag) =	ssettag $0x0;
	lr =	simm.s32 $0x1  }
0x2: {  	[smem:$0x3F9B] =	sst lr;
	_ =	strace $0xD0000000  }
0x3: {  	_ = 	snop  }
0x4: {  	_ = 	snop  }
0x5: {  	_ = 	snop  }
0x6: {  	_ = 	snop  }
0x7: {  	_ = 	snop  }
__scs_overlays_trampoline_lowered:
0x8: {  	[smem:$0x3FAA] =	sst s0  }
0x9: {  	[smem:$0x3FAB] =	sst s1  }
0xa: {  	[smem:$0x3FAC] =	sst s2  }
0xb: {  	[smem:$0x3FAD] =	sst s3  }
0xc: {  	[smem:$0x3FAE] =	sst s4  }
0xd: {  	[smem:$0x3FAF] =	sst s5  }
0xe: {  	[smem:$0x3FB0] =	sst s6  }
0xf: {  	[smem:$0x3FB1] =	sst s7  }
0x10: {  	[smem:$0x3FB2] =	sst s8  }
0x11: {  	[smem:$0x3FB3] =	sst s9;
	s0 =	simm.s32 @!p0 $0x0  }
0x12: {  	s1 =	sld [smem:$0x3F99];
	s0 =	simm.s32 @p0 $0x1  }
0x13: {  	[smem:$0x3FB4] =	sst s0;
	s0 =	simm.s32 @!p1 $0x0  }
0x14: {  	s2 =	sld [smem:$0x3F98];
	s0 =	simm.s32 @p1 $0x1  }
0x15: {  	[smem:$0x3FB5] =	sst s0;
	s0 =	simm.s32 @!p2 $0x0  }
0x16: {  	s3 =	sld [smem:$0x3FDB];
	s0 =	simm.s32 @p2 $0x1  }
0x17: {  	s4 =	simm.s32 $0x1BF5;
	[smem:$0x3FB7] =	sst s0  }
0x18: {  	s0 =	sld [smem:$0x3F9A];
	_ =	swait.ge [sflag:s4], $0x0  }
0x19: {  	s7 =	sld [smem:$0x3F9B]  }
0x1a: {  	s8 =	sadd.s32 $0xFFFFE003, lr  }
0x1b: {  	s9 =	sadd.s32 $0xFFFFFEF7, lr;
	s5 =	simm.s32 $0xFFFFFFFF;
	p2 =	slt.u32 s8, $0xFFFFF086  }
0x1c: {  	p1 =	slt.u32 s9, $0xF7A;
	s5 =	simm.s32 @!p2 $0x0  }
0x1d: {  	s5 =	simm.s32 @p1 $0x1;
	p0 =	seq.s32 s7, s2  }
0x1e: {  	s7 =	smul.u32 @!p0 $0xF7A, s2;
	p2 =	seq.s32 @!p0 s5, $0x0  }
0x1f: {  	s9 =	smul.u32 $0xF7A, s1;
	s8 =	simm.s32 @!p0 $0x1BF5;
	p2 =	por !p2, p0  }
0x20: {  	[sflag:s8] =	ssyncset.s32 @!p0 $0xFFFFF086;
	s6 =	sadd.s32 @!p0 s3, s7;
	s7 =	simm.s32 @!p0 $0x108  }
0x21: {  	s3 =	sadd.s32 s3, s9;
	s6 =	sadd.s32 @!p0 $0x88, s6;
	s7 =	simm.s32 @p2 $0x1082  }
0x22: {  	[simem:s7], [sflag:s8] =	dma.local @!p0 [hbm:s6], $0xF7A  }
0x23: {  	s9 =	sor.u32 $0xD0000000, s2;
	s6 =	simm.s32 $0x108;
	_ =	swait.ge @!p0 [sflag:s8], $0x0  }
0x24: {  	s3 =	sadd.s32 $0x88, s3;
	s6 =	simm.s32 @!p1 $0x1082;
	[sflag:s4] =	ssyncset.s32 $0xFFFFF086  }
0x25: {  	[simem:s6], [sflag:s4] =	dma.local [hbm:s3], $0xF7A  }
0x26: {  	[smem:$0x3F9B] =	sst s1;
	(tag) =	ssettag s2;
	_ =	strace s9  }
0x27: {  	s1 =	sld [smem:$0x3FAB]  }
0x28: {  	s2 =	sld [smem:$0x3FAC]  }
0x29: {  	s4 =	sld [smem:$0x3FAE]  }
0x2a: {  	p0 =	seq.s32 s5, $0x0;
	s5 =	sld [smem:$0x3FAF]  }
0x2b: {  	s6 =	sld [smem:$0x3FB0]  }
0x2c: {  	s7 =	sld [smem:$0x3FB1]  }
0x2d: {  	s3 =	simm.s32 $0x108;
	s8 =	sld [smem:$0x3FB2]  }
0x2e: {  	s3 =	simm.s32 @!p0 $0x1082;
	s9 =	sld [smem:$0x3FB3]  }
0x2f: {  	lr =	sadd.s32 s0, s3;
	s0 =	sld [smem:$0x3FAA]  }
0x30: {  	s3 =	sld [smem:$0x3FAD]  }
0x31: {  	[smem:$0x3FB6] =	sst s10  }
0x32: {  	s10 =	sld [smem:$0x3FB4];
	_ =	sdelay $0x3  }
0x33: {  	p0 =	seq.s32 s10, $0x1;
	s10 =	sld [smem:$0x3FB6];
	_ =	sdelay $0x3  }
0x34: {  	[smem:$0x3FB6] =	sst s10  }
0x35: {  	s10 =	sld [smem:$0x3FB5];
	_ =	sdelay $0x3  }
0x36: {  	p1 =	seq.s32 s10, $0x1;
	s10 =	sld [smem:$0x3FB6];
	_ =	sdelay $0x3  }
0x37: {  	[smem:$0x3FB6] =	sst s10  }
0x38: {  	s10 =	sld [smem:$0x3FB7]  }
0x39: {  	_ = 	snop;
	(pc) =	sbr.ind lr, $3  }
0x3a: {  	_ = 	snop  }
0x3b: {  	_ = 	snop  }
0x3c: {  	p2 =	seq.s32 s10, $0x1;
	s10 =	sld [smem:$0x3FB6]  }
0x3d: {  	_ =	shalt  }
0x3e: {  	_ =	shalt  }
0x3f: {  	_ =	shalt  }
0x40: {  	_ =	shalt  }
0x41: {  	_ =	shalt  }
0x42: {  	_ =	shalt  }
0x43: {  	_ =	shalt  }
0x44: {  	_ =	shalt  }
0x45: {  	_ =	shalt  }
0x46: {  	_ =	shalt  }
0x47: {  	_ =	shalt  }
0x48: {  	_ =	shalt  }
0x49: {  	_ =	shalt  }
0x4a: {  	_ =	shalt  }
0x4b: {  	_ =	shalt  }
0x4c: {  	_ =	shalt  }
0x4d: {  	_ =	shalt  }
0x4e: {  	_ =	shalt  }
0x4f: {  	_ =	shalt  }
0x50: {  	_ =	shalt  }
0x51: {  	_ =	shalt  }
0x52: {  	_ =	shalt  }
0x53: {  	_ =	shalt  }
0x54: {  	_ =	shalt  }
0x55: {  	_ =	shalt  }
0x56: {  	_ =	shalt  }
0x57: {  	_ =	shalt  }
0x58: {  	_ =	shalt  }
0x59: {  	_ =	shalt  }
0x5a: {  	_ =	shalt  }
0x5b: {  	_ =	shalt  }
0x5c: {  	_ =	shalt  }
0x5d: {  	_ =	shalt  }
0x5e: {  	_ =	shalt  }
0x5f: {  	_ =	shalt  }
0x60: {  	_ =	shalt  }
0x61: {  	_ =	shalt  }
0x62: {  	_ =	shalt  }
0x63: {  	_ =	shalt  }
0x64: {  	_ =	shalt  }
0x65: {  	_ =	shalt  }
0x66: {  	_ =	shalt  }
0x67: {  	_ =	shalt  }
0x68: {  	_ =	shalt  }
0x69: {  	_ =	shalt  }
0x6a: {  	_ =	shalt  }
0x6b: {  	_ =	shalt  }
0x6c: {  	_ =	shalt  }
0x6d: {  	_ =	shalt  }
0x6e: {  	_ =	shalt  }
0x6f: {  	_ =	shalt  }
0x70: {  	_ =	shalt  }
0x71: {  	_ =	shalt  }
0x72: {  	_ =	shalt  }
0x73: {  	_ =	shalt  }
0x74: {  	_ =	shalt  }
0x75: {  	_ =	shalt  }
0x76: {  	_ =	shalt  }
0x77: {  	_ =	shalt  }
0x78: {  	_ =	shalt  }
0x79: {  	_ =	shalt  }
0x7a: {  	_ =	shalt  }
0x7b: {  	_ =	shalt  }
0x7c: {  	_ =	shalt  }
0x7d: {  	_ =	shalt  }
0x7e: {  	_ =	shalt  }
0x7f: {  	_ =	shalt  }
0x80: {  	_ =	shalt  }
0x81: {  	_ =	shalt  }
0x82: {  	_ =	shalt  }
0x83: {  	_ =	shalt  }
0x84: {  	_ =	shalt  }
0x85: {  	_ =	shalt  }
0x86: {  	_ =	shalt  }
0x87: {  	_ =	shalt  }
.Lfunc_end0:
.L_simem_size_0:
called_computation.1_lowered:
.L_overlay_start_0:
0x88: {  	s2 =	sld [smem:$0x3FD9]  }
0x89: {  	s3 =	sld [smem:$0x3FFE];
	_ =	sdelay $0x1  }
0x8a: {  	s1 =	srdreg.scid  }
0x8b: {  	s0 =	sand.u32 $0x1, s1  }
0x8c: {  	s17 =	sshll.u32 s0, $0xA;
	s2 =	sadd.s32 s3, s2  }
0x8d: {  	s2 =	sadd.s32 s2, s17  }
0x8e: {  	[smem:$0x3FC2] =	sst s2  }
0x8f: {  	_ = 	snop  }
0x90: {  	s2 =	sld [smem:$0x3FD0];
	(tm) =	ssettm $0x1  }
0x91: {  	s18 =	sld [smem:$0x3FFB];
	_ =	sdelay $0x3  }
0x92: {  	_ =	strace s18  }
0x93: {  	s3 =	sld [smem:$0x3FFC];
	_ =	sdelay $0x3  }
0x94: {  	_ =	strace s3  }
0x95: {  	s3 =	sld [smem:$0x3FFD];
	_ =	sdelay $0x3  }
0x96: {  	_ =	strace s3  }
0x97: {  	_ =	strace $0x8FFFFFFF  }
0x98: {  	s19 =	sld [smem:$0x3FDB];
	_ =	sdelay $0x1  }
0x99: {  	s4 =	simm.s32 $_scs_section_size  }
0x9a: {  	s5 =	simm.s32 $_size__tile_overlayer_lowered;
	s6 =	simm.s32 $_tile_overlayer_lowered  }
0x9b: {  	s22 =	simm.s32 $0x1BFF;
	s21 =	sshll.u32 s6, $0x1;
	s3 =	sadd.s32 s4, s19  }
0x9c: {  	s7 =	simm.s32 $0x0;
	s20 =	sshll.u32 s5, $0x1;
	s5 =	sadd.s32 s21, s3  }
0x9d: {  	[timem:s7], [sflag:s22] =	dma.local [hbm:s5], s20  }
0x9e: {  	_ =	swait.ge [sflag:s22], s20  }
0x9f: {  	s4 =	ssub.s32 $0x0, s20;
	[sflag:s22] =	ssyncset.done $0x0  }
0xa0: {  	[sflag:s22] =	ssyncadd.s32 s4;
	_ =	sdelay $0x1  }
0xa1: {  	s23 =	simm.s32 $0x1B8B  }
0xa2: {  	_ =	swait.ge [sflag:s23], $0x1  }
0xa3: {  	[sflag:s23] =	ssyncset.done $0x0  }
0xa4: {  	s25 =	simm.s32 $0x1B8E;
	s24 =	sld [smem:$0x3FFE];
	[sflag:s23] =	ssyncadd.s32 $0xFFFFFFFF  }
0xa5: {  	s26 =	simm.s32 $execute0_lowered;
	[smem:$0x3FD2] =	sst s25  }
0xa6: {  	s5 =	sshll.u32 s26, $0x1;
	_ =	strace $0x80000049;
	[dreg:$0x1] =	wrdreg $0xFFFFFFFF  }
0xa7: {  	s28 =	simm.s32 $_size_execute0_lowered;
	s3 =	sadd.s32 s3, s5;
	[dreg:$0x0] =	wrdreg $0x0  }
0xa8: {  	s5 =	sshll.u32 s28, $0x1;
	[dreg:$0x2] =	wrdreg s3  }
0xa9: {  	[dreg:$0x3] =	wrdreg s5  }
0xaa: {  	[dreg:$0x4] =	wrdreg $0xC0  }
0xab: {  	_ =	task [dreg:s7], $0x5FFFF  }
0xac: {  	[dreg:$0x1] =	wrdreg $0xFFFFFFFF  }
0xad: {  	[dreg:$0x0] =	wrdreg $0x60  }
0xae: {  	[dreg:$0x2] =	wrdreg s2  }
0xaf: {  	[dreg:$0x3] =	wrdreg s24  }
0xb0: {  	[dreg:$0x4] =	wrdreg $0x0  }
0xb1: {  	[dreg:$0x5] =	wrdreg $0x9  }
0xb2: {  	_ =	task.clear_ibuf [dreg:s7], $0x6FFFF;
	_ =	strace $0x90000049  }
0xb3: {  	s29 =	simm.s32 $0x9;
	_ =	strace $0x8000004B  }
0xb4: {  	_ =	swait.ge [sflag:s29], $0x1  }
0xb5: {  	[sflag:s29] =	ssyncadd.s32 $0xFFFFFFFF  }
0xb6: {  	_ =	strace $0x9000004B  }
0xb7: {  	_ =	sfence  }
0xb8: {  	s30 =	sld [smem:$0x0];
	_ =	sdelay $0x2  }
0xb9: {  	s31 =	sshll.u32 s1, $0xD;
	s1 =	sshrl.u32 s1, $0x2  }
0xba: {  	s3 =	sand.u32 $0x4000, s31;
	s1 =	sadd.s32 s1, s30  }
0xbb: {  	s0 =	sor.u32 s3, s0;
	s1 =	sshll.u32 s1, $0x11  }
0xbc: {  	s0 =	sor.u32 s1, s0  }
0xbd: {  	s0 =	sadd.s32 $0x8F2B, s0  }
0xbe: {  	[sflag:s0] =	ssyncadd.remote.s32 $0x1  }
0xbf: {  	_ =	sfence.sel $0xFFFF  }
0xc0: {  	[dreg:$0x0] =	wrdreg $0xFFFFFFFF;
	(pc) =	sbr.abs _section_cstart, $3  }
0xc1: {  	[dreg:$0x1] =	wrdreg $0xFFFFFFFF  }
0xc2: {  	_ =	task.clear_ibuf [dreg:s7], $0x2FFFF;
	_ =	strace $0x9FFFFFFF  }
0xc3: {  	(tm) =	ssettm $0x7FFFFFFF  }
tec
execute0_lowered:
.L_overlay_start_1:
0x0: {  	(tag) =	ssettag $0x1  }
0x1: {  	s1 =	rddreg [dreg:$0x0]  }
0x2: {  	s0 =	rddreg [dreg:$0x1]  }
0x3: {  	s3 =	rddreg [dreg:$0x2]  }
0x4: {  	s2 =	srdreg.scid;
	s15 =	stileid.u32  }
0x5: {  	s4 =	simm.s32 $0x0;
	s28 =	simm.s32 $0xA000;
	s29 =	simm.s32 $0xA100  }
0x6: {  	s30 =	simm.s32 $0x80;
	s31 =	simm.s32 $0xA200;
	s6 =	smul.u32 $0x28000, s15  }
0x7: {  	s2 =	sand.u32 $0x1, s2;
	s5 =	sshll.u32 s15, $0x1;
	s12 =	smul.u32 $0xA000, s15  }
0x8: {  	[smem:$0x7FF] =	sst s4;
	s7 =	sadd.s32 $0x2400, s0;
	s15 =	smul.u32 $0xA0, s15  }
0x9: {  	s9 =	sadd.s32 $0xC400, s0;
	s0 =	sadd.s32 $0x16400, s0;
	s10 =	smul.u32 $0xA0000, s2  }
0xa: {  	s5 =	sor.u32 s2, s5;
	s26 =	ssub.s32 $0x2, s2;
	s2 =	smul.u32 $0x50, s2  }
0xb: {  	_ =	strace $0x8000004A;
	s8 =	smul.u32 $0x500, s5;
	s11 =	sshrl.u32 s26, $0x1  }
0xc: {  	s6 =	sshrl.u32 s6, $0x2;
	s19 =	sadd.s32 $0x2000, s12;
	s22 =	sadd.s32 $0x4000, s12  }
0xd: {  	s23 =	sadd.s32 s12, s3;
	s25 =	sadd.s32 $0x6000, s12;
	s11 =	ssub.s32 s26, s11  }
0xe: {  	s5 =	sadd.s32 s6, s3;
	s21 =	sadd.s32 s10, s19;
	s26 =	sadd.s32 s10, s25  }
0xf: {  	s2 =	sadd.s32 s2, s15;
	s13 =	sadd.s32 s7, s8;
	s14 =	sor.u32 $0x10, s8  }
0x10: {  	s8 =	sadd.s32 s9, s8;
	s20 =	smax.u32 s11, $0x1;
	s11 =	sadd.s32 s22, s3  }
0x11: {  	s2 =	sshll.u32 s2, $0x4;
	[dreg:$0x4] =	wrdreg s13;
	s13 =	sadd.s32 s10, s12  }
0x12: {  	[dreg:$0x5] =	wrdreg s8;
	s16 =	sadd.s32 s7, s14;
	s6 =	sadd.s32 s9, s14  }
0x13: {  	[dreg:$0x9] =	wrdreg s20;
	s8 =	sshrl.u32 s21, $0x3;
	s14 =	sadd.s32 s10, s22  }
0x14: {  	s12 =	sadd.s32 $0x8000, s12;
	s20 =	simm.s32 $0xE200;
	s21 =	sshrl.u32 s23, $0x3  }
0x15: {  	s23 =	sshrl.u32 s11, $0x3;
	s11 =	simm.s32 $0x0;
	[dreg:$0x6] =	wrdreg s16  }
0x16: {  	s17 =	sshrl.u32 s13, $0x3;
	[dreg:$0x7] =	wrdreg s6;
	s8 =	sadd.s32 s0, s8  }
0x17: {  	s6 =	sadd.s32 s19, s3;
	s24 =	sshrl.u32 s14, $0x3;
	s14 =	sshrl.u32 s26, $0x3  }
0x18: {  	s10 =	sadd.s32 s10, s12;
	s26 =	sadd.s32 s2, s9;
	s18 =	sadd.s32 s0, s17  }
0x19: {  	[dreg:$0xa] =	wrdreg s8;
	s8 =	sadd.s32 s0, s24;
	s14 =	sadd.s32 s0, s14  }
0x1a: {  	s10 =	sshrl.u32 s10, $0x3;
	s17 =	sadd.s32 $0x30, s26;
	[dreg:$0x8] =	wrdreg s18  }
0x1b: {  	s22 =	sshrl.u32 s6, $0x3;
	s26 =	simm.s32 $0x5;
	[dreg:$0xb] =	wrdreg s8  }
0x1c: {  	s6 =	simm.s32 $0x1;
	[dreg:$0xc] =	wrdreg s14;
	s8 =	sadd.s32 s25, s3  }
0x1d: {  	s15 =	sadd.s32 s0, s10;
	s14 =	sadd.s32 s12, s3;
	s25 =	sadd.s32 s2, s7  }
0x1e: {  	s0 =	sor.u32 $0x20, s2;
	s2 =	simm.s32 $0xA180;
	s10 =	simm.s32 $0x3  }
0x1f: {  	s16 =	sadd.s32 $0x30, s25;
	s18 =	sadd.s32 s0, s7;
	s19 =	sadd.s32 s0, s9  }
0x20: {  	s24 =	sshrl.u32 s8, $0x3;
	s25 =	sshrl.u32 s14, $0x3;
	s0 =	simm.s32 $0xA080  }
0x21: {  	v0 =	vimm.f32 $0.0e+00;
	s7 =	simm.s32 $0x4;
	s8 =	simm.s32 $0xC200;
	s9 =	simm.s32 $0x2  }
.LBB2_1:
0x22: {  	[tilespmem:$0xE200] =	vst v0  }
0x23: {  	[tilespmem:$0xE210] =	vst v0  }
0x24: {  	[tilespmem:$0xE220] =	vst v0  }
0x25: {  	[tilespmem:$0xE230] =	vst v0  }
0x26: {  	[tilespmem:$0xE240] =	vst v0  }
0x27: {  	[tilespmem:$0xE250] =	vst v0  }
0x28: {  	[tilespmem:$0xE260] =	vst v0  }
0x29: {  	[tilespmem:$0xE270] =	vst v0  }
0x2a: {  	[tilespmem:$0xE280] =	vst v0  }
0x2b: {  	[tilespmem:$0xE290] =	vst v0  }
0x2c: {  	[tilespmem:$0xE2A0] =	vst v0  }
0x2d: {  	[tilespmem:$0xE2B0] =	vst v0  }
0x2e: {  	[tilespmem:$0xE2C0] =	vst v0  }
0x2f: {  	[tilespmem:$0xE2D0] =	vst v0  }
0x30: {  	[tilespmem:$0xE2E0] =	vst v0  }
0x31: {  	[tilespmem:$0xE2F0] =	vst v0  }
0x32: {  	[tilespmem:$0xE300] =	vst v0  }
0x33: {  	[tilespmem:$0xE310] =	vst v0  }
0x34: {  	[tilespmem:$0xE320] =	vst v0  }
0x35: {  	[tilespmem:$0xE330] =	vst v0  }
0x36: {  	[tilespmem:$0xE340] =	vst v0  }
0x37: {  	[tilespmem:$0xE350] =	vst v0  }
0x38: {  	[tilespmem:$0xE360] =	vst v0  }
0x39: {  	[tilespmem:$0xE370] =	vst v0  }
0x3a: {  	[tilespmem:$0xE380] =	vst v0  }
0x3b: {  	[tilespmem:$0xE390] =	vst v0  }
0x3c: {  	[tilespmem:$0xE3A0] =	vst v0  }
0x3d: {  	[tilespmem:$0xE3B0] =	vst v0  }
0x3e: {  	[tilespmem:$0xE3C0] =	vst v0  }
0x3f: {  	[tilespmem:$0xE3D0] =	vst v0  }
0x40: {  	[tilespmem:$0xE3E0] =	vst v0  }
0x41: {  	[tilespmem:$0xE3F0] =	vst v0  }
0x42: {  	[tilespmem:$0xE400] =	vst v0  }
0x43: {  	[tilespmem:$0xE410] =	vst v0  }
0x44: {  	[tilespmem:$0xE420] =	vst v0  }
0x45: {  	[tilespmem:$0xE430] =	vst v0  }
0x46: {  	[tilespmem:$0xE440] =	vst v0  }
0x47: {  	[tilespmem:$0xE450] =	vst v0  }
0x48: {  	[tilespmem:$0xE460] =	vst v0  }
0x49: {  	[tilespmem:$0xE470] =	vst v0  }
0x4a: {  	[tilespmem:$0xE480] =	vst v0  }
0x4b: {  	[tilespmem:$0xE490] =	vst v0  }
0x4c: {  	[tilespmem:$0xE4A0] =	vst v0  }
0x4d: {  	[tilespmem:$0xE4B0] =	vst v0  }
0x4e: {  	[tilespmem:$0xE4C0] =	vst v0  }
0x4f: {  	[tilespmem:$0xE4D0] =	vst v0  }
0x50: {  	[tilespmem:$0xE4E0] =	vst v0  }
0x51: {  	[tilespmem:$0xE4F0] =	vst v0  }
0x52: {  	[tilespmem:$0xE500] =	vst v0  }
0x53: {  	[tilespmem:$0xE510] =	vst v0  }
0x54: {  	[tilespmem:$0xE520] =	vst v0  }
0x55: {  	[tilespmem:$0xE530] =	vst v0  }
0x56: {  	[tilespmem:$0xE540] =	vst v0  }
0x57: {  	[tilespmem:$0xE550] =	vst v0  }
0x58: {  	[tilespmem:$0xE560] =	vst v0  }
0x59: {  	[tilespmem:$0xE570] =	vst v0  }
0x5a: {  	[tilespmem:$0xE580] =	vst v0  }
0x5b: {  	[tilespmem:$0xE590] =	vst v0  }
0x5c: {  	[tilespmem:$0xE5A0] =	vst v0  }
0x5d: {  	[tilespmem:$0xE5B0] =	vst v0  }
0x5e: {  	[tilespmem:$0xE5C0] =	vst v0  }
0x5f: {  	[tilespmem:$0xE5D0] =	vst v0  }
0x60: {  	[tilespmem:$0xE5E0] =	vst v0  }
0x61: {  	[tilespmem:$0xE5F0] =	vst v0;
	s12 =	sadd.s32 $0x0, s5  }
0x62: {  	[spmem:s12] =	stream.linear.scatter [tilespmem:s20], [sflag:$0x5], $0x400, $0x38;
	[tilespmem:$0xE600] =	vst v63  }
0x63: {  	s12 =	simm.s32 $0x1000;
	_ =	swait.ge [sflag:s26], $0x400  }
.LBB2_2:
0x64: {  	s13 =	sshra.s32 s12, $0x2;
	[sflag:s26] =	ssyncset.done $0x0;
	p0 =	sne.s32 s12, $0x27000  }
.Ltmp0:
0x65: {  	s13 =	sadd.s32 s13, s5;
	[sflag:s26] =	ssyncadd.s32 $0xFFFFFC00;
	(pc) =	sbr.rel @p0 .LBB2_2-.Ltmp0, $3  }
0x66: {  	[spmem:s13] =	stream.linear.scatter [tilespmem:s20], [sflag:$0x5], $0x400, $0x38;
	[tilespmem:$0xE600] =	vst v63  }
0x67: {  	s12 =	sadd.s32 $0x1000, s12;
	_ =	sdelay $0x1  }
0x68: {  	_ =	swait.ge [sflag:s26], $0x400  }
0x69: {  	[sflag:s26] =	ssyncset.done $0x0  }
0x6a: {  	[sflag:s26] =	ssyncadd.s32 $0xFFFFFC00  }
0x6b: {  	[bflag:$0x0] =	sbarrier.arrive $0xFFFF  }
0x6c: {  	s12 =	simm.s32 $0x0;
	s13 =	rddreg [dreg:$0x4]  }
0x6d: {  	[tilespmem:s28], [sflag:$0x5] =	stream.linear.gather [hbm4b:s13+s12], $0x80, $0x38;
	[tilespmem:$0xE600] =	vst v63  }
0x6e: {  	_ =	swait.ge [sflag:s26], $0x80  }
0x6f: {  	[sflag:s26] =	ssyncset.done $0x0  }
0x70: {  	s14 =	rddreg [dreg:$0x5];
	[sflag:s26] =	ssyncadd.s32 $0xFFFFFF80  }
0x71: {  	[tilespmem:s29], [sflag:$0x5] =	stream.linear.gather [hbm4b:s14+s12], $0x80, $0x38;
	[tilespmem:$0xE600] =	vst v63  }
0x72: {  	_ =	swait.ge [sflag:s26], $0x80  }
0x73: {  	[sflag:s26] =	ssyncset.done $0x0  }
0x74: {  	[sflag:s26] =	ssyncadd.s32 $0xFFFFFF80  }
0x75: {  	[tilespmem:s31], [sflag:$0x1] =	stream.indirect.gather [hbm4b:s1+s30], $0x40, s28, s30, $0xb8;
	[tilespmem:$0xE600] =	vst v63  }
0x76: {  	s14 =	rddreg [dreg:$0x6]  }
0x77: {  	[tilespmem:s0], [sflag:$0x4] =	stream.linear.gather [hbm4b:s14+s12], $0x80, $0x38;
	[tilespmem:$0xE600] =	vst v63  }
0x78: {  	s14 =	rddreg [dreg:$0x7]  }
0x79: {  	[tilespmem:s2], [sflag:$0x4] =	stream.linear.gather [hbm4b:s14+s12], $0x80, $0x38;
	[tilespmem:$0xE600] =	vst v63  }
0x7a: {  	_ =	swait.ge [sflag:s6], $0x2000  }
0x7b: {  	[sflag:s6] =	ssyncset.done $0x0  }
0x7c: {  	[sflag:s6] =	ssyncadd.s32 $0xFFFFE000  }
0x7d: {  	_ =	swait.ge [sflag:s7], $0x80  }
0x7e: {  	[sflag:s7] =	ssyncset.done $0x0  }
0x7f: {  	[sflag:s7] =	ssyncadd.s32 $0xFFFFFF80  }
0x80: {  	_ =	swait.ge [sflag:s7], $0x80  }
0x81: {  	[sflag:s7] =	ssyncset.done $0x0  }
0x82: {  	[sflag:s7] =	ssyncadd.s32 $0xFFFFFF80  }
0x83: {  	[tilespmem:s8], [sflag:$0x2] =	stream.indirect.gather [hbm4b:s1+s30], $0x40, s0, s30, $0xb8;
	[tilespmem:$0xE600] =	vst v63  }
0x84: {  	_ = 	snop  }
0x85: {  	[spmem:s3] =	stream.indirect.scatter.add.f32 [tilespmem:s31], [sflag:$0x5], $0x40, s29, s30, $0xb8;
	[tilespmem:$0xE600] =	vst v63  }
0x86: {  	_ =	swait.ge [sflag:s26], $0x2000  }
0x87: {  	[sflag:s26] =	ssyncset.done $0x0  }
0x88: {  	s14 =	sadd.s32 $0x0, s18;
	[sflag:s26] =	ssyncadd.s32 $0xFFFFE000  }
0x89: {  	[tilespmem:s28], [sflag:$0x3] =	stream.linear.gather [hbm4b:s14+s4], $0x80, $0x38;
	[tilespmem:$0xE600] =	vst v63  }
0x8a: {  	s13 =	sadd.s32 $0x0, s19  }
0x8b: {  	[tilespmem:s29], [sflag:$0x3] =	stream.linear.gather [hbm4b:s13+s4], $0x80, $0x38;
	[tilespmem:$0xE600] =	vst v63  }
0x8c: {  	_ =	swait.ge [sflag:s9], $0x2000  }
0x8d: {  	[sflag:s9] =	ssyncset.done $0x0  }
0x8e: {  	[sflag:s9] =	ssyncadd.s32 $0xFFFFE000  }
0x8f: {  	_ =	swait.ge [sflag:s10], $0x80  }
0x90: {  	[sflag:s10] =	ssyncset.done $0x0  }
0x91: {  	[sflag:s10] =	ssyncadd.s32 $0xFFFFFF80  }
0x92: {  	_ =	swait.ge [sflag:s10], $0x80  }
0x93: {  	[sflag:s10] =	ssyncset.done $0x0  }
0x94: {  	[sflag:s10] =	ssyncadd.s32 $0xFFFFFF80  }
0x95: {  	[tilespmem:s31], [sflag:$0x1] =	stream.indirect.gather [hbm4b:s1+s30], $0x40, s28, s30, $0xb8;
	[tilespmem:$0xE600] =	vst v63  }
0x96: {  	_ = 	snop  }
0x97: {  	[spmem:s3] =	stream.indirect.scatter.add.f32 [tilespmem:s8], [sflag:$0x5], $0x40, s2, s30, $0xb8;
	[tilespmem:$0xE600] =	vst v63  }
0x98: {  	_ =	swait.ge [sflag:s26], $0x2000  }
0x99: {  	s12 =	simm.s32 $0x20;
	[sflag:s26] =	ssyncset.done $0x0  }
0x9a: {  	s14 =	sadd.s32 $0x0, s16;
	s13 =	sadd.s32 $0x0, s17;
	[sflag:s26] =	ssyncadd.s32 $0xFFFFE000  }
0x9b: {  	[tilespmem:s0], [sflag:$0x4] =	stream.linear.gather [hbm4b:s14+s4], $0x80, $0x38;
	[tilespmem:$0xE600] =	vst v63  }
.LBB2_4:
0x9c: {  	[tilespmem:s2], [sflag:$0x4] =	stream.linear.gather [hbm4b:s13+s4], $0x80, $0x38;
	[tilespmem:$0xE600] =	vst v63  }
0x9d: {  	s13 =	smov.u32 s12  }
0x9e: {  	p0 =	sne.s32 s12, $0x4C0;
	s12 =	sadd.s32 $0x20, s12;
	_ =	swait.ge [sflag:s6], $0x2000  }
0x9f: {  	[sflag:s6] =	ssyncset.done $0x0  }
0xa0: {  	[sflag:s6] =	ssyncadd.s32 $0xFFFFE000  }
0xa1: {  	_ =	swait.ge [sflag:s7], $0x80  }
0xa2: {  	[sflag:s7] =	ssyncset.done $0x0  }
0xa3: {  	[sflag:s7] =	ssyncadd.s32 $0xFFFFFF80  }
0xa4: {  	_ =	swait.ge [sflag:s7], $0x80  }
0xa5: {  	[sflag:s7] =	ssyncset.done $0x0  }
0xa6: {  	[sflag:s7] =	ssyncadd.s32 $0xFFFFFF80  }
0xa7: {  	[tilespmem:s8], [sflag:$0x2] =	stream.indirect.gather [hbm4b:s1+s30], $0x40, s0, s30, $0xb8;
	[tilespmem:$0xE600] =	vst v63  }
0xa8: {  	_ = 	snop  }
0xa9: {  	[spmem:s3] =	stream.indirect.scatter.add.f32 [tilespmem:s31], [sflag:$0x5], $0x40, s29, s30, $0xb8;
	[tilespmem:$0xE600] =	vst v63  }
0xaa: {  	_ =	swait.ge [sflag:s26], $0x2000  }
0xab: {  	[sflag:s26] =	ssyncset.done $0x0  }
0xac: {  	s14 =	sadd.s32 s13, s18;
	[sflag:s26] =	ssyncadd.s32 $0xFFFFE000  }
0xad: {  	[tilespmem:s28], [sflag:$0x3] =	stream.linear.gather [hbm4b:s14+s4], $0x80, $0x38;
	[tilespmem:$0xE600] =	vst v63  }
0xae: {  	s14 =	sadd.s32 s13, s19  }
0xaf: {  	[tilespmem:s29], [sflag:$0x3] =	stream.linear.gather [hbm4b:s14+s4], $0x80, $0x38;
	[tilespmem:$0xE600] =	vst v63  }
0xb0: {  	_ =	swait.ge [sflag:s9], $0x2000  }
0xb1: {  	[sflag:s9] =	ssyncset.done $0x0  }
0xb2: {  	[sflag:s9] =	ssyncadd.s32 $0xFFFFE000  }
0xb3: {  	_ =	swait.ge [sflag:s10], $0x80  }
0xb4: {  	[sflag:s10] =	ssyncset.done $0x0  }
0xb5: {  	[sflag:s10] =	ssyncadd.s32 $0xFFFFFF80  }
0xb6: {  	_ =	swait.ge [sflag:s10], $0x80  }
0xb7: {  	[sflag:s10] =	ssyncset.done $0x0  }
0xb8: {  	[sflag:s10] =	ssyncadd.s32 $0xFFFFFF80  }
0xb9: {  	[tilespmem:s31], [sflag:$0x1] =	stream.indirect.gather [hbm4b:s1+s30], $0x40, s28, s30, $0xb8;
	[tilespmem:$0xE600] =	vst v63  }
0xba: {  	_ = 	snop  }
0xbb: {  	[spmem:s3] =	stream.indirect.scatter.add.f32 [tilespmem:s8], [sflag:$0x5], $0x40, s2, s30, $0xb8;
	[tilespmem:$0xE600] =	vst v63  }
.Ltmp1:
0xbc: {  	_ =	swait.ge [sflag:s26], $0x2000;
	(pc) =	sbr.rel @p0 .LBB2_4-.Ltmp1, $4  }
0xbd: {  	[sflag:s26] =	ssyncset.done $0x0  }
0xbe: {  	s14 =	sadd.s32 s13, s16;
	[sflag:s26] =	ssyncadd.s32 $0xFFFFE000  }
0xbf: {  	[tilespmem:s0], [sflag:$0x4] =	stream.linear.gather [hbm4b:s14+s4], $0x80, $0x38;
	[tilespmem:$0xE600] =	vst v63  }
0xc0: {  	s13 =	sadd.s32 s13, s17  }
0xc1: {  	[tilespmem:s2], [sflag:$0x4] =	stream.linear.gather [hbm4b:s13+s4], $0x80, $0x38;
	[tilespmem:$0xE600] =	vst v63  }
0xc2: {  	_ =	swait.ge [sflag:s6], $0x2000  }
0xc3: {  	[sflag:s6] =	ssyncset.done $0x0  }
0xc4: {  	[sflag:s6] =	ssyncadd.s32 $0xFFFFE000  }
0xc5: {  	_ =	swait.ge [sflag:s7], $0x80  }
0xc6: {  	[sflag:s7] =	ssyncset.done $0x0  }
0xc7: {  	[sflag:s7] =	ssyncadd.s32 $0xFFFFFF80  }
0xc8: {  	_ =	swait.ge [sflag:s7], $0x80  }
0xc9: {  	[sflag:s7] =	ssyncset.done $0x0  }
0xca: {  	[sflag:s7] =	ssyncadd.s32 $0xFFFFFF80  }
0xcb: {  	[tilespmem:s8], [sflag:$0x2] =	stream.indirect.gather [hbm4b:s1+s30], $0x40, s0, s30, $0xb8;
	[tilespmem:$0xE600] =	vst v63  }
0xcc: {  	_ = 	snop  }
0xcd: {  	[spmem:s3] =	stream.indirect.scatter.add.f32 [tilespmem:s31], [sflag:$0x5], $0x40, s29, s30, $0xb8;
	[tilespmem:$0xE600] =	vst v63  }
0xce: {  	_ =	swait.ge [sflag:s26], $0x2000  }
0xcf: {  	[sflag:s26] =	ssyncset.done $0x0  }
0xd0: {  	[sflag:s26] =	ssyncadd.s32 $0xFFFFE000  }
0xd1: {  	_ =	swait.ge [sflag:s9], $0x2000  }
0xd2: {  	[sflag:s9] =	ssyncset.done $0x0  }
0xd3: {  	[sflag:s9] =	ssyncadd.s32 $0xFFFFE000  }
0xd4: {  	[spmem:s3] =	stream.indirect.scatter.add.f32 [tilespmem:s8], [sflag:$0x5], $0x40, s2, s30, $0xb8;
	[tilespmem:$0xE600] =	vst v63  }
0xd5: {  	_ =	swait.ge [sflag:s26], $0x2000  }
0xd6: {  	[sflag:s26] =	ssyncset.done $0x0  }
0xd7: {  	s12 =	stileid.u32;
	[sflag:s26] =	ssyncadd.s32 $0xFFFFE000  }
0xd8: {  	s12 =	sshll.u32 s12, $0x6;
	[bflag:$0x0] =	sbarrier.arrive $0xFFFF  }
0xd9: {  	s12 =	sor.u32 $0x1C05, s12;
	s14 =	rddreg [dreg:$0x8]  }
0xda: {  	[hbm:s14], [sflag:s12] =	dma.local [spmem:s21], $0x400  }
0xdb: {  	_ =	swait.ge [sflag:s26], $0x400  }
0xdc: {  	[sflag:s26] =	ssyncset.done $0x0  }
0xdd: {  	s14 =	rddreg [dreg:$0xa];
	[sflag:s26] =	ssyncadd.s32 $0xFFFFFC00  }
0xde: {  	[hbm:s14], [sflag:s12] =	dma.local [spmem:s22], $0x400  }
0xdf: {  	_ =	swait.ge [sflag:s26], $0x400  }
0xe0: {  	[sflag:s26] =	ssyncset.done $0x0  }
0xe1: {  	s14 =	rddreg [dreg:$0xb];
	[sflag:s26] =	ssyncadd.s32 $0xFFFFFC00  }
0xe2: {  	[hbm:s14], [sflag:s12] =	dma.local [spmem:s23], $0x400  }
0xe3: {  	_ =	swait.ge [sflag:s26], $0x400  }
0xe4: {  	[sflag:s26] =	ssyncset.done $0x0  }
0xe5: {  	s14 =	rddreg [dreg:$0xc];
	[sflag:s26] =	ssyncadd.s32 $0xFFFFFC00  }
0xe6: {  	[hbm:s14], [sflag:s12] =	dma.local [spmem:s24], $0x400  }
0xe7: {  	_ =	swait.ge [sflag:s26], $0x400  }
0xe8: {  	[sflag:s26] =	ssyncset.done $0x0  }
0xe9: {  	[sflag:s26] =	ssyncadd.s32 $0xFFFFFC00  }
0xea: {  	[hbm:s15], [sflag:s12] =	dma.local [spmem:s25], $0x400  }
0xeb: {  	_ =	swait.ge [sflag:s26], $0x400  }
0xec: {  	s11 =	sadd.s32 $0x1, s11;
	s14 =	rddreg [dreg:$0x9]  }
0xed: {  	p0 =	sne.s32 s11, s14  }
.Ltmp2:
0xee: {  	_ = 	snop;
	(pc) =	sbr.rel @p0 .LBB2_1-.Ltmp2, $3  }
0xef: {  	_ =	sdelay $0x1  }
0xf0: {  	[sflag:s26] =	ssyncset.done $0x0  }
0xf1: {  	[sflag:s26] =	ssyncadd.s32 $0xFFFFFC00  }
0xf2: {  	_ =	sfence.sel $0x180000  }
0xf3: {  	[bflag:$0x0] =	sbarrier.arrive $0xFFFF  }
0xf4: {  	_ =	strace $0x9000004A  }
0xf5: {  	s0 =	stileid.u32;
	[bflag:$0x2] =	sbarrier.arrive $0xFFFF  }
0xf6: {  	p0 =	sne.s32 s0, $0x0;
	s0 =	rddreg [dreg:$0x3]  }
0xf7: {  	s0 =	sadd.s32 @!p0 $0x100000, s0  }
0xf8: {  	[sflag:s0] =	ssyncadd.tile.s32 @!p0 $0x1;
	_ =	shalt  }
.Lfunc_end2:
_tile_overlayer_lowered:
.L_overlay_start_2:
0xf9: {  	(tag) =	ssettag $0x2  }
0xfa: {  	s0 =	rddreg [dreg:$0x0];
	s2 =	stileid.u32  }
0xfb: {  	s1 =	rddreg [dreg:$0x1];
	p0 =	sne.s32 s2, $0x0  }
0xfc: {  	s3 =	rddreg [dreg:$0x2];
	[bflag:$0x3] =	sbarrier.arrive $0xFFFF;
	s2 =	simm.s32 @!p0 $0x1C05  }
0xfd: {  	[timem:s3], [sflag:s2] =	dma.local @!p0 [hbm:s0], s1  }
0xfe: {  	s0 =	simm.s32 @!p0 $0x5  }
0xff: {  	_ =	swait.ge @!p0 [sflag:s0], s1  }
0x100: {  	s1 =	ssub.s32 @!p0 $0x0, s1;
	[sflag:s0] =	ssyncset.done @!p0 $0x0  }
0x101: {  	[sflag:s0] =	ssyncadd.s32 @!p0 s1  }
0x102: {  	[bflag:$0x3] =	sbarrier.arrive $0xFFFF  }
0x103: {  	_ =	shalt  }

// kernel: kernel.14.cloned.1.call-start
scs
__scs_entry_jumppad:
0x0: {  	(pc) =	sbr.rel $0x88, $3  }
0x1: {  	(tag) =	ssettag $0x0;
	lr =	simm.s32 $0x1  }
0x2: {  	[smem:$0x3F9B] =	sst lr;
	_ =	strace $0xD0000000  }
0x3: {  	_ = 	snop  }
0x4: {  	_ = 	snop  }
0x5: {  	_ = 	snop  }
0x6: {  	_ = 	snop  }
0x7: {  	_ = 	snop  }
__scs_overlays_trampoline_lowered:
0x8: {  	[smem:$0x3FAA] =	sst s0  }
0x9: {  	[smem:$0x3FAB] =	sst s1  }
0xa: {  	[smem:$0x3FAC] =	sst s2  }
0xb: {  	[smem:$0x3FAD] =	sst s3  }
0xc: {  	[smem:$0x3FAE] =	sst s4  }
0xd: {  	[smem:$0x3FAF] =	sst s5  }
0xe: {  	[smem:$0x3FB0] =	sst s6  }
0xf: {  	[smem:$0x3FB1] =	sst s7  }
0x10: {  	[smem:$0x3FB2] =	sst s8  }
0x11: {  	[smem:$0x3FB3] =	sst s9;
	s0 =	simm.s32 @!p0 $0x0  }
0x12: {  	s1 =	sld [smem:$0x3F99];
	s0 =	simm.s32 @p0 $0x1  }
0x13: {  	[smem:$0x3FB4] =	sst s0;
	s0 =	simm.s32 @!p1 $0x0  }
0x14: {  	s2 =	sld [smem:$0x3F98];
	s0 =	simm.s32 @p1 $0x1  }
0x15: {  	[smem:$0x3FB5] =	sst s0;
	s0 =	simm.s32 @!p2 $0x0  }
0x16: {  	s3 =	sld [smem:$0x3FDB];
	s0 =	simm.s32 @p2 $0x1  }
0x17: {  	s4 =	simm.s32 $0x1BF5;
	[smem:$0x3FB7] =	sst s0  }
0x18: {  	s0 =	sld [smem:$0x3F9A];
	_ =	swait.ge [sflag:s4], $0x0  }
0x19: {  	s7 =	sld [smem:$0x3F9B]  }
0x1a: {  	s8 =	sadd.s32 $0xFFFFE003, lr  }
0x1b: {  	s9 =	sadd.s32 $0xFFFFFEF7, lr;
	s5 =	simm.s32 $0xFFFFFFFF;
	p2 =	slt.u32 s8, $0xFFFFF086  }
0x1c: {  	p1 =	slt.u32 s9, $0xF7A;
	s5 =	simm.s32 @!p2 $0x0  }
0x1d: {  	s5 =	simm.s32 @p1 $0x1;
	p0 =	seq.s32 s7, s2  }
0x1e: {  	s7 =	smul.u32 @!p0 $0xF7A, s2;
	p2 =	seq.s32 @!p0 s5, $0x0  }
0x1f: {  	s9 =	smul.u32 $0xF7A, s1;
	s8 =	simm.s32 @!p0 $0x1BF5;
	p2 =	por !p2, p0  }
0x20: {  	[sflag:s8] =	ssyncset.s32 @!p0 $0xFFFFF086;
	s6 =	sadd.s32 @!p0 s3, s7;
	s7 =	simm.s32 @!p0 $0x108  }
0x21: {  	s3 =	sadd.s32 s3, s9;
	s6 =	sadd.s32 @!p0 $0x88, s6;
	s7 =	simm.s32 @p2 $0x1082  }
0x22: {  	[simem:s7], [sflag:s8] =	dma.local @!p0 [hbm:s6], $0xF7A  }
0x23: {  	s9 =	sor.u32 $0xD0000000, s2;
	s6 =	simm.s32 $0x108;
	_ =	swait.ge @!p0 [sflag:s8], $0x0  }
0x24: {  	s3 =	sadd.s32 $0x88, s3;
	s6 =	simm.s32 @!p1 $0x1082;
	[sflag:s4] =	ssyncset.s32 $0xFFFFF086  }
0x25: {  	[simem:s6], [sflag:s4] =	dma.local [hbm:s3], $0xF7A  }
0x26: {  	[smem:$0x3F9B] =	sst s1;
	(tag) =	ssettag s2;
	_ =	strace s9  }
0x27: {  	s1 =	sld [smem:$0x3FAB]  }
0x28: {  	s2 =	sld [smem:$0x3FAC]  }
0x29: {  	s4 =	sld [smem:$0x3FAE]  }
0x2a: {  	p0 =	seq.s32 s5, $0x0;
	s5 =	sld [smem:$0x3FAF]  }
0x2b: {  	s6 =	sld [smem:$0x3FB0]  }
0x2c: {  	s7 =	sld [smem:$0x3FB1]  }
0x2d: {  	s3 =	simm.s32 $0x108;
	s8 =	sld [smem:$0x3FB2]  }
0x2e: {  	s3 =	simm.s32 @!p0 $0x1082;
	s9 =	sld [smem:$0x3FB3]  }
0x2f: {  	lr =	sadd.s32 s0, s3;
	s0 =	sld [smem:$0x3FAA]  }
0x30: {  	s3 =	sld [smem:$0x3FAD]  }
0x31: {  	[smem:$0x3FB6] =	sst s10  }
0x32: {  	s10 =	sld [smem:$0x3FB4];
	_ =	sdelay $0x3  }
0x33: {  	p0 =	seq.s32 s10, $0x1;
	s10 =	sld [smem:$0x3FB6];
	_ =	sdelay $0x3  }
0x34: {  	[smem:$0x3FB6] =	sst s10  }
0x35: {  	s10 =	sld [smem:$0x3FB5];
	_ =	sdelay $0x3  }
0x36: {  	p1 =	seq.s32 s10, $0x1;
	s10 =	sld [smem:$0x3FB6];
	_ =	sdelay $0x3  }
0x37: {  	[smem:$0x3FB6] =	sst s10  }
0x38: {  	s10 =	sld [smem:$0x3FB7]  }
0x39: {  	_ = 	snop;
	(pc) =	sbr.ind lr, $3  }
0x3a: {  	_ = 	snop  }
0x3b: {  	_ = 	snop  }
0x3c: {  	p2 =	seq.s32 s10, $0x1;
	s10 =	sld [smem:$0x3FB6]  }
0x3d: {  	_ =	shalt  }
0x3e: {  	_ =	shalt  }
0x3f: {  	_ =	shalt  }
0x40: {  	_ =	shalt  }
0x41: {  	_ =	shalt  }
0x42: {  	_ =	shalt  }
0x43: {  	_ =	shalt  }
0x44: {  	_ =	shalt  }
0x45: {  	_ =	shalt  }
0x46: {  	_ =	shalt  }
0x47: {  	_ =	shalt  }
0x48: {  	_ =	shalt  }
0x49: {  	_ =	shalt  }
0x4a: {  	_ =	shalt  }
0x4b: {  	_ =	shalt  }
0x4c: {  	_ =	shalt  }
0x4d: {  	_ =	shalt  }
0x4e: {  	_ =	shalt  }
0x4f: {  	_ =	shalt  }
0x50: {  	_ =	shalt  }
0x51: {  	_ =	shalt  }
0x52: {  	_ =	shalt  }
0x53: {  	_ =	shalt  }
0x54: {  	_ =	shalt  }
0x55: {  	_ =	shalt  }
0x56: {  	_ =	shalt  }
0x57: {  	_ =	shalt  }
0x58: {  	_ =	shalt  }
0x59: {  	_ =	shalt  }
0x5a: {  	_ =	shalt  }
0x5b: {  	_ =	shalt  }
0x5c: {  	_ =	shalt  }
0x5d: {  	_ =	shalt  }
0x5e: {  	_ =	shalt  }
0x5f: {  	_ =	shalt  }
0x60: {  	_ =	shalt  }
0x61: {  	_ =	shalt  }
0x62: {  	_ =	shalt  }
0x63: {  	_ =	shalt  }
0x64: {  	_ =	shalt  }
0x65: {  	_ =	shalt  }
0x66: {  	_ =	shalt  }
0x67: {  	_ =	shalt  }
0x68: {  	_ =	shalt  }
0x69: {  	_ =	shalt  }
0x6a: {  	_ =	shalt  }
0x6b: {  	_ =	shalt  }
0x6c: {  	_ =	shalt  }
0x6d: {  	_ =	shalt  }
0x6e: {  	_ =	shalt  }
0x6f: {  	_ =	shalt  }
0x70: {  	_ =	shalt  }
0x71: {  	_ =	shalt  }
0x72: {  	_ =	shalt  }
0x73: {  	_ =	shalt  }
0x74: {  	_ =	shalt  }
0x75: {  	_ =	shalt  }
0x76: {  	_ =	shalt  }
0x77: {  	_ =	shalt  }
0x78: {  	_ =	shalt  }
0x79: {  	_ =	shalt  }
0x7a: {  	_ =	shalt  }
0x7b: {  	_ =	shalt  }
0x7c: {  	_ =	shalt  }
0x7d: {  	_ =	shalt  }
0x7e: {  	_ =	shalt  }
0x7f: {  	_ =	shalt  }
0x80: {  	_ =	shalt  }
0x81: {  	_ =	shalt  }
0x82: {  	_ =	shalt  }
0x83: {  	_ =	shalt  }
0x84: {  	_ =	shalt  }
0x85: {  	_ =	shalt  }
0x86: {  	_ =	shalt  }
0x87: {  	_ =	shalt  }
.Lfunc_end0:
.L_simem_size_0:
called_computation.2_lowered:
.L_overlay_start_0:
0x88: {  	s2 =	sld [smem:$0x3FD9]  }
0x89: {  	s3 =	sld [smem:$0x3FFE];
	_ =	sdelay $0x1  }
0x8a: {  	s1 =	srdreg.scid  }
0x8b: {  	s0 =	sand.u32 $0x1, s1  }
0x8c: {  	s16 =	sshll.u32 s0, $0xA;
	s2 =	sadd.s32 s3, s2  }
0x8d: {  	s2 =	sadd.s32 s2, s16  }
0x8e: {  	[smem:$0x3FC2] =	sst s2  }
0x8f: {  	_ = 	snop  }
0x90: {  	(tm) =	ssettm $0x1  }
0x91: {  	s17 =	sld [smem:$0x3FFB];
	_ =	sdelay $0x3  }
0x92: {  	_ =	strace s17  }
0x93: {  	s2 =	sld [smem:$0x3FFC];
	_ =	sdelay $0x3  }
0x94: {  	_ =	strace s2  }
0x95: {  	s2 =	sld [smem:$0x3FFD];
	_ =	sdelay $0x3  }
0x96: {  	_ =	strace s2  }
0x97: {  	_ =	strace $0x8FFFFFFF  }
0x98: {  	s18 =	sld [smem:$0x3FDB];
	_ =	sdelay $0x1  }
0x99: {  	s19 =	simm.s32 $_scs_section_size  }
0x9a: {  	s4 =	simm.s32 $_size__tile_overlayer_lowered;
	s5 =	simm.s32 $_tile_overlayer_lowered  }
0x9b: {  	s22 =	simm.s32 $0x1BFF;
	s21 =	sshll.u32 s5, $0x1;
	s2 =	sadd.s32 s19, s18  }
0x9c: {  	s6 =	simm.s32 $0x0;
	s20 =	sshll.u32 s4, $0x1;
	s4 =	sadd.s32 s21, s2  }
0x9d: {  	[timem:s6], [sflag:s22] =	dma.local [hbm:s4], s20  }
0x9e: {  	_ =	swait.ge [sflag:s22], s20  }
0x9f: {  	s3 =	ssub.s32 $0x0, s20;
	[sflag:s22] =	ssyncset.done $0x0  }
0xa0: {  	[sflag:s22] =	ssyncadd.s32 s3;
	_ =	sdelay $0x1  }
0xa1: {  	s23 =	simm.s32 $0x1B8B  }
0xa2: {  	_ =	swait.ge [sflag:s23], $0x1  }
0xa3: {  	[sflag:s23] =	ssyncset.done $0x0  }
0xa4: {  	s25 =	simm.s32 $0x1B8E;
	s24 =	sld [smem:$0x3FFE];
	[sflag:s23] =	ssyncadd.s32 $0xFFFFFFFF  }
0xa5: {  	s26 =	simm.s32 $execute0_lowered;
	[smem:$0x3FD2] =	sst s25  }
0xa6: {  	s4 =	sshll.u32 s26, $0x1;
	_ =	strace $0x8000004C;
	[dreg:$0x1] =	wrdreg $0xFFFFFFFF  }
0xa7: {  	s28 =	simm.s32 $_size_execute0_lowered;
	s2 =	sadd.s32 s2, s4;
	[dreg:$0x0] =	wrdreg $0x0  }
0xa8: {  	s4 =	sshll.u32 s28, $0x1;
	[dreg:$0x2] =	wrdreg s2  }
0xa9: {  	[dreg:$0x3] =	wrdreg s4  }
0xaa: {  	[dreg:$0x4] =	wrdreg $0xC0  }
0xab: {  	_ =	task [dreg:s6], $0x5FFFF  }
0xac: {  	[dreg:$0x1] =	wrdreg $0xFFFFFFFF  }
0xad: {  	[dreg:$0x0] =	wrdreg $0x60  }
0xae: {  	[dreg:$0x2] =	wrdreg s24  }
0xaf: {  	[dreg:$0x3] =	wrdreg $0x0  }
0xb0: {  	[dreg:$0x4] =	wrdreg $0x9  }
0xb1: {  	_ =	task.clear_ibuf [dreg:s6], $0x5FFFF;
	_ =	strace $0x9000004C  }
0xb2: {  	s29 =	simm.s32 $0x9;
	_ =	strace $0x8000004E  }
0xb3: {  	_ =	swait.ge [sflag:s29], $0x1  }
0xb4: {  	[sflag:s29] =	ssyncadd.s32 $0xFFFFFFFF  }
0xb5: {  	_ =	strace $0x9000004E  }
0xb6: {  	_ =	sfence  }
0xb7: {  	s30 =	sld [smem:$0x0];
	_ =	sdelay $0x2  }
0xb8: {  	s31 =	sshll.u32 s1, $0xD;
	s1 =	sshrl.u32 s1, $0x2  }
0xb9: {  	s3 =	sand.u32 $0x4000, s31;
	s1 =	sadd.s32 s1, s30  }
0xba: {  	s0 =	sor.u32 s3, s0;
	s1 =	sshll.u32 s1, $0x11  }
0xbb: {  	s0 =	sor.u32 s1, s0  }
0xbc: {  	s0 =	sadd.s32 $0x8F2B, s0  }
0xbd: {  	[sflag:s0] =	ssyncadd.remote.s32 $0x1  }
0xbe: {  	_ =	sfence.sel $0xFFFF  }
0xbf: {  	[dreg:$0x0] =	wrdreg $0xFFFFFFFF;
	(pc) =	sbr.abs _section_cstart, $3  }
0xc0: {  	[dreg:$0x1] =	wrdreg $0xFFFFFFFF  }
0xc1: {  	_ =	task.clear_ibuf [dreg:s6], $0x2FFFF;
	_ =	strace $0x9FFFFFFF  }
0xc2: {  	(tm) =	ssettm $0x7FFFFFFF  }
0xc3: {  	_ =	shalt  }
tec
execute0_lowered:
.L_overlay_start_1:
0x0: {  	(tag) =	ssettag $0x1  }
0x1: {  	s0 =	rddreg [dreg:$0x0]  }
0x2: {  	s2 =	rddreg [dreg:$0x1]  }
0x3: {  	s3 =	simm.s32 $0x0;
	s1 =	srdreg.scid;
	s15 =	stileid.u32  }
0x4: {  	s28 =	simm.s32 $0x14000;
	s29 =	simm.s32 $0x14100;
	s30 =	simm.s32 $0x80  }
0x5: {  	s31 =	simm.s32 $0x14200;
	[smem:$0x7FF] =	sst s3;
	s6 =	smul.u32 $0x50000, s15  }
0x6: {  	s1 =	sand.u32 $0x1, s1;
	s4 =	sshll.u32 s15, $0x1;
	s12 =	smul.u32 $0x14000, s15  }
0x7: {  	s7 =	sadd.s32 $0x2400, s0;
	s9 =	sadd.s32 $0xC400, s0;
	s15 =	smul.u32 $0xA0, s15  }
0x8: {  	_ =	strace $0x8000004D;
	s5 =	sor.u32 s1, s4;
	s10 =	smul.u32 $0x140000, s1  }
0x9: {  	s4 =	sadd.s32 $0x16400, s0;
	s26 =	ssub.s32 $0x2, s1;
	s1 =	smul.u32 $0x50, s1  }
0xa: {  	s0 =	sadd.s32 $0x3E400, s0;
	s8 =	smul.u32 $0x500, s5;
	s11 =	sshrl.u32 s26, $0x1  }
0xb: {  	s6 =	sshrl.u32 s6, $0x2;
	s19 =	sadd.s32 $0x4000, s12;
	s22 =	sadd.s32 $0x8000, s12  }
0xc: {  	s23 =	sadd.s32 s12, s2;
	s25 =	sadd.s32 $0xC000, s12;
	s11 =	ssub.s32 s26, s11  }
0xd: {  	s5 =	sadd.s32 s6, s2;
	s21 =	sadd.s32 s10, s19;
	s26 =	sadd.s32 s10, s25  }
0xe: {  	s1 =	sadd.s32 s1, s15;
	s13 =	sadd.s32 s7, s8;
	s14 =	sor.u32 $0x10, s8  }
0xf: {  	s8 =	sadd.s32 s9, s8;
	s20 =	smax.u32 s11, $0x1;
	s11 =	sadd.s32 s22, s2  }
0x10: {  	s1 =	sshll.u32 s1, $0x4;
	[dreg:$0x3] =	wrdreg s13;
	s13 =	sadd.s32 s10, s12  }
0x11: {  	[dreg:$0x4] =	wrdreg s8;
	s16 =	sadd.s32 s7, s14;
	s6 =	sadd.s32 s9, s14  }
0x12: {  	[dreg:$0x8] =	wrdreg s20;
	s8 =	sshrl.u32 s21, $0x3;
	s14 =	sadd.s32 s10, s22  }
0x13: {  	s12 =	sadd.s32 $0x10000, s12;
	s20 =	simm.s32 $0x1C200;
	s21 =	sshrl.u32 s23, $0x3  }
0x14: {  	s23 =	sshrl.u32 s11, $0x3;
	s11 =	simm.s32 $0x0;
	[dreg:$0x5] =	wrdreg s16  }
0x15: {  	s17 =	sshrl.u32 s13, $0x3;
	[dreg:$0x6] =	wrdreg s6;
	s8 =	sadd.s32 s0, s8  }
0x16: {  	s6 =	sadd.s32 s19, s2;
	s24 =	sshrl.u32 s14, $0x3;
	s14 =	sshrl.u32 s26, $0x3  }
0x17: {  	s10 =	sadd.s32 s10, s12;
	s26 =	sadd.s32 s1, s9;
	s18 =	sadd.s32 s0, s17  }
0x18: {  	[dreg:$0x9] =	wrdreg s8;
	s8 =	sadd.s32 s0, s24;
	s14 =	sadd.s32 s0, s14  }
0x19: {  	s10 =	sshrl.u32 s10, $0x3;
	s17 =	sadd.s32 $0x30, s26;
	[dreg:$0x7] =	wrdreg s18  }
0x1a: {  	s22 =	sshrl.u32 s6, $0x3;
	s26 =	simm.s32 $0x5;
	[dreg:$0xa] =	wrdreg s8  }
0x1b: {  	s6 =	simm.s32 $0x1;
	[dreg:$0xb] =	wrdreg s14;
	s8 =	sadd.s32 s25, s2  }
0x1c: {  	s15 =	sadd.s32 s0, s10;
	s14 =	sadd.s32 s12, s2;
	s25 =	sadd.s32 s1, s7  }
0x1d: {  	s0 =	sor.u32 $0x20, s1;
	s1 =	simm.s32 $0x14180;
	s10 =	simm.s32 $0x3  }
0x1e: {  	s16 =	sadd.s32 $0x30, s25;
	s18 =	sadd.s32 s0, s7;
	s19 =	sadd.s32 s0, s9  }
0x1f: {  	s24 =	sshrl.u32 s8, $0x3;
	s25 =	sshrl.u32 s14, $0x3;
	s0 =	simm.s32 $0x14080  }
0x20: {  	v0 =	vimm.f32 $0.0e+00;
	s7 =	simm.s32 $0x4;
	s8 =	simm.s32 $0x18200;
	s9 =	simm.s32 $0x2  }
.LBB2_1:
0x21: {  	s12 =	simm.s32 $0x0;
	s13 =	simm.s32 $0x200  }
.LBB2_2:
0x22: {  	p0 =	sne.s32 s13, $0x1E00;
	[tilespmem:s12+$0x1C270] =	vst v0  }
0x23: {  	[tilespmem:s12+$0x1C200] =	vst v0  }
0x24: {  	[tilespmem:s12+$0x1C210] =	vst v0  }
.Ltmp0:
0x25: {  	[tilespmem:s12+$0x1C220] =	vst v0;
	(pc) =	sbr.rel @p0 .LBB2_2-.Ltmp0, $4  }
0x26: {  	[tilespmem:s12+$0x1C230] =	vst v0  }
0x27: {  	[tilespmem:s12+$0x1C240] =	vst v0  }
0x28: {  	[tilespmem:s12+$0x1C250] =	vst v0  }
0x29: {  	[tilespmem:s12+$0x1C260] =	vst v0;
	s12 =	sshra.s32 s13, $0x2;
	s13 =	sadd.s32 $0x200, s13  }
0x2a: {  	[tilespmem:s12+$0x1C270] =	vst v0  }
0x2b: {  	[tilespmem:s12+$0x1C200] =	vst v0  }
0x2c: {  	[tilespmem:s12+$0x1C210] =	vst v0  }
0x2d: {  	[tilespmem:s12+$0x1C220] =	vst v0  }
0x2e: {  	[tilespmem:s12+$0x1C230] =	vst v0  }
0x2f: {  	[tilespmem:s12+$0x1C240] =	vst v0  }
0x30: {  	[tilespmem:s12+$0x1C250] =	vst v0  }
0x31: {  	[tilespmem:s12+$0x1C260] =	vst v0;
	s14 =	sadd.s32 $0x0, s5  }
0x32: {  	[spmem:s14] =	stream.linear.scatter [tilespmem:s20], [sflag:$0x5], $0x800, $0x38;
	[tilespmem:$0x1CA00] =	vst v63  }
0x33: {  	s12 =	simm.s32 $0x2000;
	_ =	swait.ge [sflag:s26], $0x800  }
.LBB2_4:
0x34: {  	s13 =	sshra.s32 s12, $0x2;
	[sflag:s26] =	ssyncset.done $0x0;
	p0 =	sne.s32 s12, $0x4E000  }
.Ltmp1:
0x35: {  	s13 =	sadd.s32 s13, s5;
	[sflag:s26] =	ssyncadd.s32 $0xFFFFF800;
	(pc) =	sbr.rel @p0 .LBB2_4-.Ltmp1, $3  }
0x36: {  	[spmem:s13] =	stream.linear.scatter [tilespmem:s20], [sflag:$0x5], $0x800, $0x38;
	[tilespmem:$0x1CA00] =	vst v63  }
0x37: {  	s12 =	sadd.s32 $0x2000, s12;
	_ =	sdelay $0x1  }
0x38: {  	_ =	swait.ge [sflag:s26], $0x800  }
0x39: {  	[sflag:s26] =	ssyncset.done $0x0  }
0x3a: {  	[sflag:s26] =	ssyncadd.s32 $0xFFFFF800  }
0x3b: {  	[bflag:$0x0] =	sbarrier.arrive $0xFFFF  }
0x3c: {  	s12 =	simm.s32 $0x0;
	s13 =	rddreg [dreg:$0x3]  }
0x3d: {  	[tilespmem:s28], [sflag:$0x5] =	stream.linear.gather [hbm4b:s13+s12], $0x80, $0x38;
	[tilespmem:$0x1CA00] =	vst v63  }
0x3e: {  	_ =	swait.ge [sflag:s26], $0x80  }
0x3f: {  	[sflag:s26] =	ssyncset.done $0x0  }
0x40: {  	s14 =	rddreg [dreg:$0x4];
	[sflag:s26] =	ssyncadd.s32 $0xFFFFFF80  }
0x41: {  	[tilespmem:s29], [sflag:$0x5] =	stream.linear.gather [hbm4b:s14+s12], $0x80, $0x38;
	[tilespmem:$0x1CA00] =	vst v63  }
0x42: {  	_ =	swait.ge [sflag:s26], $0x80  }
0x43: {  	[sflag:s26] =	ssyncset.done $0x0  }
0x44: {  	[sflag:s26] =	ssyncadd.s32 $0xFFFFFF80  }
0x45: {  	[tilespmem:s31], [sflag:$0x1] =	stream.indirect.gather [hbm4b:s4+s30], $0x80, s28, s30, $0xb8;
	[tilespmem:$0x1CA00] =	vst v63  }
0x46: {  	s14 =	rddreg [dreg:$0x5]  }
0x47: {  	[tilespmem:s0], [sflag:$0x4] =	stream.linear.gather [hbm4b:s14+s12], $0x80, $0x38;
	[tilespmem:$0x1CA00] =	vst v63  }
0x48: {  	s14 =	rddreg [dreg:$0x6]  }
0x49: {  	[tilespmem:s1], [sflag:$0x4] =	stream.linear.gather [hbm4b:s14+s12], $0x80, $0x38;
	[tilespmem:$0x1CA00] =	vst v63  }
0x4a: {  	_ =	swait.ge [sflag:s6], $0x4000  }
0x4b: {  	[sflag:s6] =	ssyncset.done $0x0  }
0x4c: {  	[sflag:s6] =	ssyncadd.s32 $0xFFFFC000  }
0x4d: {  	_ =	swait.ge [sflag:s7], $0x80  }
0x4e: {  	[sflag:s7] =	ssyncset.done $0x0  }
0x4f: {  	[sflag:s7] =	ssyncadd.s32 $0xFFFFFF80  }
0x50: {  	_ =	swait.ge [sflag:s7], $0x80  }
0x51: {  	[sflag:s7] =	ssyncset.done $0x0  }
0x52: {  	[sflag:s7] =	ssyncadd.s32 $0xFFFFFF80  }
0x53: {  	[tilespmem:s8], [sflag:$0x2] =	stream.indirect.gather [hbm4b:s4+s30], $0x80, s0, s30, $0xb8;
	[tilespmem:$0x1CA00] =	vst v63  }
0x54: {  	_ = 	snop  }
0x55: {  	[spmem:s2] =	stream.indirect.scatter.add.f32 [tilespmem:s31], [sflag:$0x5], $0x80, s29, s30, $0xb8;
	[tilespmem:$0x1CA00] =	vst v63  }
0x56: {  	_ =	swait.ge [sflag:s26], $0x4000  }
0x57: {  	[sflag:s26] =	ssyncset.done $0x0  }
0x58: {  	s14 =	sadd.s32 $0x0, s18;
	[sflag:s26] =	ssyncadd.s32 $0xFFFFC000  }
0x59: {  	[tilespmem:s28], [sflag:$0x3] =	stream.linear.gather [hbm4b:s14+s3], $0x80, $0x38;
	[tilespmem:$0x1CA00] =	vst v63  }
0x5a: {  	s13 =	sadd.s32 $0x0, s19  }
0x5b: {  	[tilespmem:s29], [sflag:$0x3] =	stream.linear.gather [hbm4b:s13+s3], $0x80, $0x38;
	[tilespmem:$0x1CA00] =	vst v63  }
0x5c: {  	_ =	swait.ge [sflag:s9], $0x4000  }
0x5d: {  	[sflag:s9] =	ssyncset.done $0x0  }
0x5e: {  	[sflag:s9] =	ssyncadd.s32 $0xFFFFC000  }
0x5f: {  	_ =	swait.ge [sflag:s10], $0x80  }
0x60: {  	[sflag:s10] =	ssyncset.done $0x0  }
0x61: {  	[sflag:s10] =	ssyncadd.s32 $0xFFFFFF80  }
0x62: {  	_ =	swait.ge [sflag:s10], $0x80  }
0x63: {  	[sflag:s10] =	ssyncset.done $0x0  }
0x64: {  	[sflag:s10] =	ssyncadd.s32 $0xFFFFFF80  }
0x65: {  	[tilespmem:s31], [sflag:$0x1] =	stream.indirect.gather [hbm4b:s4+s30], $0x80, s28, s30, $0xb8;
	[tilespmem:$0x1CA00] =	vst v63  }
0x66: {  	_ = 	snop  }
0x67: {  	[spmem:s2] =	stream.indirect.scatter.add.f32 [tilespmem:s8], [sflag:$0x5], $0x80, s1, s30, $0xb8;
	[tilespmem:$0x1CA00] =	vst v63  }
0x68: {  	_ =	swait.ge [sflag:s26], $0x4000  }
0x69: {  	s12 =	simm.s32 $0x20;
	[sflag:s26] =	ssyncset.done $0x0  }
0x6a: {  	s14 =	sadd.s32 $0x0, s16;
	s13 =	sadd.s32 $0x0, s17;
	[sflag:s26] =	ssyncadd.s32 $0xFFFFC000  }
0x6b: {  	[tilespmem:s0], [sflag:$0x4] =	stream.linear.gather [hbm4b:s14+s3], $0x80, $0x38;
	[tilespmem:$0x1CA00] =	vst v63  }
.LBB2_6:
0x6c: {  	[tilespmem:s1], [sflag:$0x4] =	stream.linear.gather [hbm4b:s13+s3], $0x80, $0x38;
	[tilespmem:$0x1CA00] =	vst v63  }
0x6d: {  	s13 =	smov.u32 s12  }
0x6e: {  	p0 =	sne.s32 s12, $0x4C0;
	s12 =	sadd.s32 $0x20, s12;
	_ =	swait.ge [sflag:s6], $0x4000  }
0x6f: {  	[sflag:s6] =	ssyncset.done $0x0  }
0x70: {  	[sflag:s6] =	ssyncadd.s32 $0xFFFFC000  }
0x71: {  	_ =	swait.ge [sflag:s7], $0x80  }
0x72: {  	[sflag:s7] =	ssyncset.done $0x0  }
0x73: {  	[sflag:s7] =	ssyncadd.s32 $0xFFFFFF80  }
0x74: {  	_ =	swait.ge [sflag:s7], $0x80  }
0x75: {  	[sflag:s7] =	ssyncset.done $0x0  }
0x76: {  	[sflag:s7] =	ssyncadd.s32 $0xFFFFFF80  }
0x77: {  	[tilespmem:s8], [sflag:$0x2] =	stream.indirect.gather [hbm4b:s4+s30], $0x80, s0, s30, $0xb8;
	[tilespmem:$0x1CA00] =	vst v63  }
0x78: {  	_ = 	snop  }
0x79: {  	[spmem:s2] =	stream.indirect.scatter.add.f32 [tilespmem:s31], [sflag:$0x5], $0x80, s29, s30, $0xb8;
	[tilespmem:$0x1CA00] =	vst v63  }
0x7a: {  	_ =	swait.ge [sflag:s26], $0x4000  }
0x7b: {  	[sflag:s26] =	ssyncset.done $0x0  }
0x7c: {  	s14 =	sadd.s32 s13, s18;
	[sflag:s26] =	ssyncadd.s32 $0xFFFFC000  }
0x7d: {  	[tilespmem:s28], [sflag:$0x3] =	stream.linear.gather [hbm4b:s14+s3], $0x80, $0x38;
	[tilespmem:$0x1CA00] =	vst v63  }
0x7e: {  	s14 =	sadd.s32 s13, s19  }
0x7f: {  	[tilespmem:s29], [sflag:$0x3] =	stream.linear.gather [hbm4b:s14+s3], $0x80, $0x38;
	[tilespmem:$0x1CA00] =	vst v63  }
0x80: {  	_ =	swait.ge [sflag:s9], $0x4000  }
0x81: {  	[sflag:s9] =	ssyncset.done $0x0  }
0x82: {  	[sflag:s9] =	ssyncadd.s32 $0xFFFFC000  }
0x83: {  	_ =	swait.ge [sflag:s10], $0x80  }
0x84: {  	[sflag:s10] =	ssyncset.done $0x0  }
0x85: {  	[sflag:s10] =	ssyncadd.s32 $0xFFFFFF80  }
0x86: {  	_ =	swait.ge [sflag:s10], $0x80  }
0x87: {  	[sflag:s10] =	ssyncset.done $0x0  }
0x88: {  	[sflag:s10] =	ssyncadd.s32 $0xFFFFFF80  }
0x89: {  	[tilespmem:s31], [sflag:$0x1] =	stream.indirect.gather [hbm4b:s4+s30], $0x80, s28, s30, $0xb8;
	[tilespmem:$0x1CA00] =	vst v63  }
0x8a: {  	_ = 	snop  }
0x8b: {  	[spmem:s2] =	stream.indirect.scatter.add.f32 [tilespmem:s8], [sflag:$0x5], $0x80, s1, s30, $0xb8;
	[tilespmem:$0x1CA00] =	vst v63  }
.Ltmp2:
0x8c: {  	_ =	swait.ge [sflag:s26], $0x4000;
	(pc) =	sbr.rel @p0 .LBB2_6-.Ltmp2, $4  }
0x8d: {  	[sflag:s26] =	ssyncset.done $0x0  }
0x8e: {  	s14 =	sadd.s32 s13, s16;
	[sflag:s26] =	ssyncadd.s32 $0xFFFFC000  }
0x8f: {  	[tilespmem:s0], [sflag:$0x4] =	stream.linear.gather [hbm4b:s14+s3], $0x80, $0x38;
	[tilespmem:$0x1CA00] =	vst v63  }
0x90: {  	s13 =	sadd.s32 s13, s17  }
0x91: {  	[tilespmem:s1], [sflag:$0x4] =	stream.linear.gather [hbm4b:s13+s3], $0x80, $0x38;
	[tilespmem:$0x1CA00] =	vst v63  }
0x92: {  	_ =	swait.ge [sflag:s6], $0x4000  }
0x93: {  	[sflag:s6] =	ssyncset.done $0x0  }
0x94: {  	[sflag:s6] =	ssyncadd.s32 $0xFFFFC000  }
0x95: {  	_ =	swait.ge [sflag:s7], $0x80  }
0x96: {  	[sflag:s7] =	ssyncset.done $0x0  }
0x97: {  	[sflag:s7] =	ssyncadd.s32 $0xFFFFFF80  }
0x98: {  	_ =	swait.ge [sflag:s7], $0x80  }
0x99: {  	[sflag:s7] =	ssyncset.done $0x0  }
0x9a: {  	[sflag:s7] =	ssyncadd.s32 $0xFFFFFF80  }
0x9b: {  	[tilespmem:s8], [sflag:$0x2] =	stream.indirect.gather [hbm4b:s4+s30], $0x80, s0, s30, $0xb8;
	[tilespmem:$0x1CA00] =	vst v63  }
0x9c: {  	_ = 	snop  }
0x9d: {  	[spmem:s2] =	stream.indirect.scatter.add.f32 [tilespmem:s31], [sflag:$0x5], $0x80, s29, s30, $0xb8;
	[tilespmem:$0x1CA00] =	vst v63  }
0x9e: {  	_ =	swait.ge [sflag:s26], $0x4000  }
0x9f: {  	[sflag:s26] =	ssyncset.done $0x0  }
0xa0: {  	[sflag:s26] =	ssyncadd.s32 $0xFFFFC000  }
0xa1: {  	_ =	swait.ge [sflag:s9], $0x4000  }
0xa2: {  	[sflag:s9] =	ssyncset.done $0x0  }
0xa3: {  	[sflag:s9] =	ssyncadd.s32 $0xFFFFC000  }
0xa4: {  	[spmem:s2] =	stream.indirect.scatter.add.f32 [tilespmem:s8], [sflag:$0x5], $0x80, s1, s30, $0xb8;
	[tilespmem:$0x1CA00] =	vst v63  }
0xa5: {  	_ =	swait.ge [sflag:s26], $0x4000  }
0xa6: {  	[sflag:s26] =	ssyncset.done $0x0  }
0xa7: {  	s12 =	stileid.u32;
	[sflag:s26] =	ssyncadd.s32 $0xFFFFC000  }
0xa8: {  	s12 =	sshll.u32 s12, $0x6;
	[bflag:$0x0] =	sbarrier.arrive $0xFFFF  }
0xa9: {  	s12 =	sor.u32 $0x1C05, s12;
	s14 =	rddreg [dreg:$0x7]  }
0xaa: {  	[hbm:s14], [sflag:s12] =	dma.local [spmem:s21], $0x800  }
0xab: {  	_ =	swait.ge [sflag:s26], $0x800  }
0xac: {  	[sflag:s26] =	ssyncset.done $0x0  }
0xad: {  	s14 =	rddreg [dreg:$0x9];
	[sflag:s26] =	ssyncadd.s32 $0xFFFFF800  }
0xae: {  	[hbm:s14], [sflag:s12] =	dma.local [spmem:s22], $0x800  }
0xaf: {  	_ =	swait.ge [sflag:s26], $0x800  }
0xb0: {  	[sflag:s26] =	ssyncset.done $0x0  }
0xb1: {  	s14 =	rddreg [dreg:$0xa];
	[sflag:s26] =	ssyncadd.s32 $0xFFFFF800  }
0xb2: {  	[hbm:s14], [sflag:s12] =	dma.local [spmem:s23], $0x800  }
0xb3: {  	_ =	swait.ge [sflag:s26], $0x800  }
0xb4: {  	[sflag:s26] =	ssyncset.done $0x0  }
0xb5: {  	s14 =	rddreg [dreg:$0xb];
	[sflag:s26] =	ssyncadd.s32 $0xFFFFF800  }
0xb6: {  	[hbm:s14], [sflag:s12] =	dma.local [spmem:s24], $0x800  }
0xb7: {  	_ =	swait.ge [sflag:s26], $0x800  }
0xb8: {  	[sflag:s26] =	ssyncset.done $0x0  }
0xb9: {  	[sflag:s26] =	ssyncadd.s32 $0xFFFFF800  }
0xba: {  	[hbm:s15], [sflag:s12] =	dma.local [spmem:s25], $0x800  }
0xbb: {  	_ =	swait.ge [sflag:s26], $0x800  }
0xbc: {  	s11 =	sadd.s32 $0x1, s11;
	s14 =	rddreg [dreg:$0x8]  }
0xbd: {  	p0 =	sne.s32 s11, s14  }
.Ltmp3:
0xbe: {  	_ = 	snop;
	(pc) =	sbr.rel @p0 .LBB2_1-.Ltmp3, $3  }
0xbf: {  	_ =	sdelay $0x1  }
0xc0: {  	[sflag:s26] =	ssyncset.done $0x0  }
0xc1: {  	[sflag:s26] =	ssyncadd.s32 $0xFFFFF800  }
0xc2: {  	_ =	sfence.sel $0x180000  }
0xc3: {  	[bflag:$0x0] =	sbarrier.arrive $0xFFFF  }
0xc4: {  	_ =	strace $0x9000004D  }
0xc5: {  	s0 =	stileid.u32;
	[bflag:$0x2] =	sbarrier.arrive $0xFFFF  }
0xc6: {  	p0 =	sne.s32 s0, $0x0;
	s0 =	rddreg [dreg:$0x2]  }
0xc7: {  	s0 =	sadd.s32 @!p0 $0x100000, s0  }
0xc8: {  	[sflag:s0] =	ssyncadd.tile.s32 @!p0 $0x1;
	_ =	shalt  }
.Lfunc_end2:
_tile_overlayer_lowered:
.L_overlay_start_2:
0xc9: {  	(tag) =	ssettag $0x2  }
0xca: {  	s0 =	rddreg [dreg:$0x0];
	s2 =	stileid.u32  }
0xcb: {  	s1 =	rddreg [dreg:$0x1];
	p0 =	sne.s32 s2, $0x0  }
0xcc: {  	s3 =	rddreg [dreg:$0x2];
	[bflag:$0x3] =	sbarrier.arrive $0xFFFF;
	s2 =	simm.s32 @!p0 $0x1C05  }
0xcd: {  	[timem:s3], [sflag:s2] =	dma.local @!p0 [hbm:s0], s1  }
0xce: {  	s0 =	simm.s32 @!p0 $0x5  }
0xcf: {  	_ =	swait.ge @!p0 [sflag:s0], s1  }
0xd0: {  	s1 =	ssub.s32 @!p0 $0x0, s1;
	[sflag:s0] =	ssyncset.done @!p0 $0x0  }
0xd1: {  	[sflag:s0] =	ssyncadd.s32 @!p0 s1  }
0xd2: {  	[bflag:$0x3] =	sbarrier.arrive $0xFFFF  }
0xd3: {  	_ =	shalt  }

// kernel: kernel.8.cloned.1.call-start
scs
__scs_entry_jumppad:
0x0: {  	(pc) =	sbr.rel $0x88, $3  }
0x1: {  	(tag) =	ssettag $0x0;
	lr =	simm.s32 $0x1  }
0x2: {  	[smem:$0x3F9B] =	sst lr;
	_ =	strace $0xD0000000  }
0x3: {  	_ = 	snop  }
0x4: {  	_ = 	snop  }
0x5: {  	_ = 	snop  }
0x6: {  	_ = 	snop  }
0x7: {  	_ = 	snop  }
__scs_overlays_trampoline_lowered:
0x8: {  	[smem:$0x3FAA] =	sst s0  }
0x9: {  	[smem:$0x3FAB] =	sst s1  }
0xa: {  	[smem:$0x3FAC] =	sst s2  }
0xb: {  	[smem:$0x3FAD] =	sst s3  }
0xc: {  	[smem:$0x3FAE] =	sst s4  }
0xd: {  	[smem:$0x3FAF] =	sst s5  }
0xe: {  	[smem:$0x3FB0] =	sst s6  }
0xf: {  	[smem:$0x3FB1] =	sst s7  }
0x10: {  	[smem:$0x3FB2] =	sst s8  }
0x11: {  	[smem:$0x3FB3] =	sst s9;
	s0 =	simm.s32 @!p0 $0x0  }
0x12: {  	s1 =	sld [smem:$0x3F99];
	s0 =	simm.s32 @p0 $0x1  }
0x13: {  	[smem:$0x3FB4] =	sst s0;
	s0 =	simm.s32 @!p1 $0x0  }
0x14: {  	s2 =	sld [smem:$0x3F98];
	s0 =	simm.s32 @p1 $0x1  }
0x15: {  	[smem:$0x3FB5] =	sst s0;
	s0 =	simm.s32 @!p2 $0x0  }
0x16: {  	s3 =	sld [smem:$0x3FDB];
	s0 =	simm.s32 @p2 $0x1  }
0x17: {  	s4 =	simm.s32 $0x1BF5;
	[smem:$0x3FB7] =	sst s0  }
0x18: {  	s0 =	sld [smem:$0x3F9A];
	_ =	swait.ge [sflag:s4], $0x0  }
0x19: {  	s7 =	sld [smem:$0x3F9B]  }
0x1a: {  	s8 =	sadd.s32 $0xFFFFE003, lr  }
0x1b: {  	s9 =	sadd.s32 $0xFFFFFEF7, lr;
	s5 =	simm.s32 $0xFFFFFFFF;
	p2 =	slt.u32 s8, $0xFFFFF086  }
0x1c: {  	p1 =	slt.u32 s9, $0xF7A;
	s5 =	simm.s32 @!p2 $0x0  }
0x1d: {  	s5 =	simm.s32 @p1 $0x1;
	p0 =	seq.s32 s7, s2  }
0x1e: {  	s7 =	smul.u32 @!p0 $0xF7A, s2;
	p2 =	seq.s32 @!p0 s5, $0x0  }
0x1f: {  	s9 =	smul.u32 $0xF7A, s1;
	s8 =	simm.s32 @!p0 $0x1BF5;
	p2 =	por !p2, p0  }
0x20: {  	[sflag:s8] =	ssyncset.s32 @!p0 $0xFFFFF086;
	s6 =	sadd.s32 @!p0 s3, s7;
	s7 =	simm.s32 @!p0 $0x108  }
0x21: {  	s3 =	sadd.s32 s3, s9;
	s6 =	sadd.s32 @!p0 $0x88, s6;
	s7 =	simm.s32 @p2 $0x1082  }
0x22: {  	[simem:s7], [sflag:s8] =	dma.local @!p0 [hbm:s6], $0xF7A  }
0x23: {  	s9 =	sor.u32 $0xD0000000, s2;
	s6 =	simm.s32 $0x108;
	_ =	swait.ge @!p0 [sflag:s8], $0x0  }
0x24: {  	s3 =	sadd.s32 $0x88, s3;
	s6 =	simm.s32 @!p1 $0x1082;
	[sflag:s4] =	ssyncset.s32 $0xFFFFF086  }
0x25: {  	[simem:s6], [sflag:s4] =	dma.local [hbm:s3], $0xF7A  }
0x26: {  	[smem:$0x3F9B] =	sst s1;
	(tag) =	ssettag s2;
	_ =	strace s9  }
0x27: {  	s1 =	sld [smem:$0x3FAB]  }
0x28: {  	s2 =	sld [smem:$0x3FAC]  }
0x29: {  	s4 =	sld [smem:$0x3FAE]  }
0x2a: {  	p0 =	seq.s32 s5, $0x0;
	s5 =	sld [smem:$0x3FAF]  }
0x2b: {  	s6 =	sld [smem:$0x3FB0]  }
0x2c: {  	s7 =	sld [smem:$0x3FB1]  }
0x2d: {  	s3 =	simm.s32 $0x108;
	s8 =	sld [smem:$0x3FB2]  }
0x2e: {  	s3 =	simm.s32 @!p0 $0x1082;
	s9 =	sld [smem:$0x3FB3]  }
0x2f: {  	lr =	sadd.s32 s0, s3;
	s0 =	sld [smem:$0x3FAA]  }
0x30: {  	s3 =	sld [smem:$0x3FAD]  }
0x31: {  	[smem:$0x3FB6] =	sst s10  }
0x32: {  	s10 =	sld [smem:$0x3FB4];
	_ =	sdelay $0x3  }
0x33: {  	p0 =	seq.s32 s10, $0x1;
	s10 =	sld [smem:$0x3FB6];
	_ =	sdelay $0x3  }
0x34: {  	[smem:$0x3FB6] =	sst s10  }
0x35: {  	s10 =	sld [smem:$0x3FB5];
	_ =	sdelay $0x3  }
0x36: {  	p1 =	seq.s32 s10, $0x1;
	s10 =	sld [smem:$0x3FB6];
	_ =	sdelay $0x3  }
0x37: {  	[smem:$0x3FB6] =	sst s10  }
0x38: {  	s10 =	sld [smem:$0x3FB7]  }
0x39: {  	_ = 	snop;
	(pc) =	sbr.ind lr, $3  }
0x3a: {  	_ = 	snop  }
0x3b: {  	_ = 	snop  }
0x3c: {  	p2 =	seq.s32 s10, $0x1;
	s10 =	sld [smem:$0x3FB6]  }
0x3d: {  	_ =	shalt  }
0x3e: {  	_ =	shalt  }
0x3f: {  	_ =	shalt  }
0x40: {  	_ =	shalt  }
0x41: {  	_ =	shalt  }
0x42: {  	_ =	shalt  }
0x43: {  	_ =	shalt  }
0x44: {  	_ =	shalt  }
0x45: {  	_ =	shalt  }
0x46: {  	_ =	shalt  }
0x47: {  	_ =	shalt  }
0x48: {  	_ =	shalt  }
0x49: {  	_ =	shalt  }
0x4a: {  	_ =	shalt  }
0x4b: {  	_ =	shalt  }
0x4c: {  	_ =	shalt  }
0x4d: {  	_ =	shalt  }
0x4e: {  	_ =	shalt  }
0x4f: {  	_ =	shalt  }
0x50: {  	_ =	shalt  }
0x51: {  	_ =	shalt  }
0x52: {  	_ =	shalt  }
0x53: {  	_ =	shalt  }
0x54: {  	_ =	shalt  }
0x55: {  	_ =	shalt  }
0x56: {  	_ =	shalt  }
0x57: {  	_ =	shalt  }
0x58: {  	_ =	shalt  }
0x59: {  	_ =	shalt  }
0x5a: {  	_ =	shalt  }
0x5b: {  	_ =	shalt  }
0x5c: {  	_ =	shalt  }
0x5d: {  	_ =	shalt  }
0x5e: {  	_ =	shalt  }
0x5f: {  	_ =	shalt  }
0x60: {  	_ =	shalt  }
0x61: {  	_ =	shalt  }
0x62: {  	_ =	shalt  }
0x63: {  	_ =	shalt  }
0x64: {  	_ =	shalt  }
0x65: {  	_ =	shalt  }
0x66: {  	_ =	shalt  }
0x67: {  	_ =	shalt  }
0x68: {  	_ =	shalt  }
0x69: {  	_ =	shalt  }
0x6a: {  	_ =	shalt  }
0x6b: {  	_ =	shalt  }
0x6c: {  	_ =	shalt  }
0x6d: {  	_ =	shalt  }
0x6e: {  	_ =	shalt  }
0x6f: {  	_ =	shalt  }
0x70: {  	_ =	shalt  }
0x71: {  	_ =	shalt  }
0x72: {  	_ =	shalt  }
0x73: {  	_ =	shalt  }
0x74: {  	_ =	shalt  }
0x75: {  	_ =	shalt  }
0x76: {  	_ =	shalt  }
0x77: {  	_ =	shalt  }
0x78: {  	_ =	shalt  }
0x79: {  	_ =	shalt  }
0x7a: {  	_ =	shalt  }
0x7b: {  	_ =	shalt  }
0x7c: {  	_ =	shalt  }
0x7d: {  	_ =	shalt  }
0x7e: {  	_ =	shalt  }
0x7f: {  	_ =	shalt  }
0x80: {  	_ =	shalt  }
0x81: {  	_ =	shalt  }
0x82: {  	_ =	shalt  }
0x83: {  	_ =	shalt  }
0x84: {  	_ =	shalt  }
0x85: {  	_ =	shalt  }
0x86: {  	_ =	shalt  }
0x87: {  	_ =	shalt  }
.Lfunc_end0:
.L_simem_size_0:
called_computation_lowered:
.L_overlay_start_0:
0x88: {  	s2 =	sld [smem:$0x3FD9]  }
0x89: {  	s3 =	sld [smem:$0x3FFE];
	_ =	sdelay $0x1  }
0x8a: {  	s1 =	srdreg.scid  }
0x8b: {  	s0 =	sand.u32 $0x1, s1  }
0x8c: {  	s16 =	sshll.u32 s0, $0xA;
	s2 =	sadd.s32 s3, s2  }
0x8d: {  	s2 =	sadd.s32 s2, s16  }
0x8e: {  	[smem:$0x3FC2] =	sst s2  }
0x8f: {  	_ = 	snop  }
0x90: {  	(tm) =	ssettm $0x1  }
0x91: {  	s17 =	sld [smem:$0x3FFB];
	_ =	sdelay $0x3  }
0x92: {  	_ =	strace s17  }
0x93: {  	s2 =	sld [smem:$0x3FFC];
	_ =	sdelay $0x3  }
0x94: {  	_ =	strace s2  }
0x95: {  	s2 =	sld [smem:$0x3FFD];
	_ =	sdelay $0x3  }
0x96: {  	_ =	strace s2  }
0x97: {  	_ =	strace $0x8FFFFFFF  }
0x98: {  	s18 =	sld [smem:$0x3FDB];
	_ =	sdelay $0x1  }
0x99: {  	s19 =	simm.s32 $_scs_section_size  }
0x9a: {  	s4 =	simm.s32 $_size__tile_overlayer_lowered;
	s5 =	simm.s32 $_tile_overlayer_lowered  }
0x9b: {  	s22 =	simm.s32 $0x1BFF;
	s21 =	sshll.u32 s5, $0x1;
	s2 =	sadd.s32 s19, s18  }
0x9c: {  	s6 =	simm.s32 $0x0;
	s20 =	sshll.u32 s4, $0x1;
	s4 =	sadd.s32 s21, s2  }
0x9d: {  	[timem:s6], [sflag:s22] =	dma.local [hbm:s4], s20  }
0x9e: {  	_ =	swait.ge [sflag:s22], s20  }
0x9f: {  	s3 =	ssub.s32 $0x0, s20;
	[sflag:s22] =	ssyncset.done $0x0  }
0xa0: {  	[sflag:s22] =	ssyncadd.s32 s3;
	_ =	sdelay $0x1  }
0xa1: {  	s23 =	simm.s32 $0x1B8B  }
0xa2: {  	_ =	swait.ge [sflag:s23], $0x1  }
0xa3: {  	[sflag:s23] =	ssyncset.done $0x0  }
0xa4: {  	s25 =	simm.s32 $0x1B8E;
	s24 =	sld [smem:$0x3FFE];
	[sflag:s23] =	ssyncadd.s32 $0xFFFFFFFF  }
0xa5: {  	s26 =	simm.s32 $execute0_lowered;
	[smem:$0x3FD2] =	sst s25  }
0xa6: {  	s4 =	sshll.u32 s26, $0x1;
	_ =	strace $0x80000046;
	[dreg:$0x1] =	wrdreg $0xFFFFFFFF  }
0xa7: {  	s28 =	simm.s32 $_size_execute0_lowered;
	s2 =	sadd.s32 s2, s4;
	[dreg:$0x0] =	wrdreg $0x0  }
0xa8: {  	s4 =	sshll.u32 s28, $0x1;
	[dreg:$0x2] =	wrdreg s2  }
0xa9: {  	[dreg:$0x3] =	wrdreg s4  }
0xaa: {  	[dreg:$0x4] =	wrdreg $0xC0  }
0xab: {  	_ =	task [dreg:s6], $0x5FFFF  }
0xac: {  	[dreg:$0x1] =	wrdreg $0xFFFFFFFF  }
0xad: {  	[dreg:$0x0] =	wrdreg $0x60  }
0xae: {  	[dreg:$0x2] =	wrdreg s24  }
0xaf: {  	[dreg:$0x3] =	wrdreg $0x0  }
0xb0: {  	[dreg:$0x4] =	wrdreg $0x9  }
0xb1: {  	_ =	task.clear_ibuf [dreg:s6], $0x5FFFF;
	_ =	strace $0x90000046  }
0xb2: {  	s29 =	simm.s32 $0x9;
	_ =	strace $0x80000048  }
0xb3: {  	_ =	swait.ge [sflag:s29], $0x1  }
0xb4: {  	[sflag:s29] =	ssyncadd.s32 $0xFFFFFFFF  }
0xb5: {  	_ =	strace $0x90000048  }
0xb6: {  	_ =	sfence  }
0xb7: {  	s30 =	sld [smem:$0x0];
	_ =	sdelay $0x2  }
0xb8: {  	s31 =	sshll.u32 s1, $0xD;
	s1 =	sshrl.u32 s1, $0x2  }
0xb9: {  	s3 =	sand.u32 $0x4000, s31;
	s1 =	sadd.s32 s1, s30  }
0xba: {  	s0 =	sor.u32 s3, s0;
	s1 =	sshll.u32 s1, $0x11  }
0xbb: {  	s0 =	sor.u32 s1, s0  }
0xbc: {  	s0 =	sadd.s32 $0x8F2B, s0  }
0xbd: {  	[sflag:s0] =	ssyncadd.remote.s32 $0x1  }
0xbe: {  	_ =	sfence.sel $0xFFFF  }
0xbf: {  	[dreg:$0x0] =	wrdreg $0xFFFFFFFF;
	(pc) =	sbr.abs _section_cstart, $3  }
0xc0: {  	[dreg:$0x1] =	wrdreg $0xFFFFFFFF  }
0xc1: {  	_ =	task.clear_ibuf [dreg:s6], $0x2FFFF;
	_ =	strace $0x9FFFFFFF  }
0xc2: {  	(tm) =	ssettm $0x7FFFFFFF  }
0xc3: {  	_ =	shalt  }
tec
execute0_lowered:
.L_overlay_start_1:
0x0: {  	(tag) =	ssettag $0x1  }
0x1: {  	s0 =	srdreg.scid;
	s1 =	rddreg [dreg:$0x0]  }
0x2: {  	s10 =	stileid.u32;
	s2 =	rddreg [dreg:$0x1];
	s28 =	simm.s32 $0x1  }
0x3: {  	s29 =	simm.s32 $0x80;
	s30 =	simm.s32 $0x2900;
	s5 =	smul.u32 $0x50000, s10  }
0x4: {  	s0 =	sand.u32 $0x1, s0;
	s3 =	sshll.u32 s10, $0x1;
	s17 =	smul.u32 $0x14000, s10  }
0x5: {  	s31 =	simm.s32 $0x2;
	s4 =	sor.u32 s0, s3;
	s16 =	smul.u32 $0x140000, s0  }
0x6: {  	s3 =	simm.s32 $0x0;
	s7 =	ssub.s32 $0x2, s0;
	s0 =	smul.u32 $0x500, s0  }
0x7: {  	s6 =	smul.u32 $0x500, s4;
	[smem:$0x7FF] =	sst s3;
	s8 =	sshrl.u32 s7, $0x1  }
0x8: {  	s4 =	sadd.s32 $0xC400, s1;
	s1 =	sadd.s32 $0x16400, s1;
	s19 =	sshrl.u32 s5, $0x2  }
0x9: {  	s23 =	sadd.s32 $0x4000, s17;
	s18 =	sadd.s32 $0x8000, s17;
	s24 =	sadd.s32 $0xC000, s17  }
0xa: {  	_ =	strace $0x80000047;
	s7 =	ssub.s32 s7, s8;
	s9 =	sadd.s32 s16, s17  }
0xb: {  	s14 =	sadd.s32 s16, s23;
	s15 =	sadd.s32 s16, s18;
	s25 =	sadd.s32 s16, s24  }
0xc: {  	s24 =	sadd.s32 s24, s2;
	s5 =	sadd.s32 s4, s6;
	s6 =	sadd.s32 s19, s2  }
0xd: {  	s21 =	sshrl.u32 s9, $0x3;
	s7 =	smax.u32 s7, $0x1;
	s14 =	sshrl.u32 s14, $0x3  }
0xe: {  	s15 =	sshrl.u32 s15, $0x3;
	s19 =	sadd.s32 $0x10000, s17;
	s17 =	sshrl.u32 s25, $0x3  }
0xf: {  	s24 =	sshrl.u32 s24, $0x3;
	s20 =	sadd.s32 $0x10, s5;
	s8 =	sadd.s32 s1, s21  }
0x10: {  	[dreg:$0x5] =	wrdreg s7;
	s22 =	sadd.s32 $0x4000, s6;
	s11 =	sadd.s32 $0x8000, s6  }
0x11: {  	s12 =	sadd.s32 $0xC000, s6;
	s13 =	sadd.s32 $0x10000, s6;
	s14 =	sadd.s32 s1, s14  }
0x12: {  	s7 =	sadd.s32 s23, s2;
	s15 =	sadd.s32 s1, s15;
	[dreg:$0x3] =	wrdreg s20  }
0x13: {  	s23 =	sadd.s32 s18, s2;
	s16 =	sadd.s32 s16, s19;
	[dreg:$0x4] =	wrdreg s8  }
0x14: {  	s26 =	sadd.s32 s19, s2;
	s19 =	simm.s32 $0x6900;
	[dreg:$0x6] =	wrdreg s22  }
0x15: {  	s20 =	smul.u32 $0xA00, s10;
	s21 =	sshrl.u32 s16, $0x3;
	s16 =	sadd.s32 s1, s17  }
0x16: {  	s22 =	sshrl.u32 s7, $0x3;
	s23 =	sshrl.u32 s23, $0x3;
	s25 =	sshrl.u32 s26, $0x3  }
0x17: {  	s26 =	simm.s32 $0x2880;
	s17 =	sadd.s32 s1, s21;
	s21 =	simm.s32 $0x2800  }
0x18: {  	v0 =	vimm.f32 $1.000000000e+00;
	v1 =	vimm.f32 $0.0e+00;
	s1 =	simm.s32 $0x0;
	s18 =	sadd.s32 s0, s20;
	s20 =	simm.s32 $0x3  }
.LBB2_1:
0x19: {  	s0 =	simm.s32 $0x200;
	s7 =	simm.s32 $0x0  }
.LBB2_2:
0x1a: {  	p0 =	sne.s32 s0, $0xFE00;
	[tilespmem:s7+$0x2900] =	vst v0;
	s8 =	smov.u32 s0;
	s0 =	sadd.s32 $0x200, s0  }
.Ltmp0:
0x1b: {  	[tilespmem:s7+$0x6900] =	vst v1;
	(pc) =	sbr.rel @p0 .LBB2_2-.Ltmp0, $2  }
0x1c: {  	_ =	sdelay $0x2  }
0x1d: {  	s7 =	sshra.s32 s8, $0x2  }
0x1e: {  	[tilespmem:s7+$0x2900] =	vst v0  }
0x1f: {  	[tilespmem:s7+$0x6900] =	vst v1  }
0x20: {  	[spmem:s6] =	stream.linear.scatter [tilespmem:s19], [sflag:$0x3], $0x4000, $0x38;
	[tilespmem:$0xA900] =	vst v63  }
0x21: {  	_ =	swait.ge [sflag:s20], $0x4000  }
0x22: {  	[sflag:s20] =	ssyncset.done $0x0  }
0x23: {  	s0 =	rddreg [dreg:$0x6];
	[sflag:s20] =	ssyncadd.s32 $0xFFFFC000  }
0x24: {  	[spmem:s0] =	stream.linear.scatter [tilespmem:s19], [sflag:$0x3], $0x4000, $0x38;
	[tilespmem:$0xA900] =	vst v63  }
0x25: {  	_ =	swait.ge [sflag:s20], $0x4000  }
0x26: {  	[sflag:s20] =	ssyncset.done $0x0  }
0x27: {  	[sflag:s20] =	ssyncadd.s32 $0xFFFFC000  }
0x28: {  	[spmem:s11] =	stream.linear.scatter [tilespmem:s19], [sflag:$0x3], $0x4000, $0x38;
	[tilespmem:$0xA900] =	vst v63  }
0x29: {  	_ =	swait.ge [sflag:s20], $0x4000  }
0x2a: {  	[sflag:s20] =	ssyncset.done $0x0  }
0x2b: {  	[sflag:s20] =	ssyncadd.s32 $0xFFFFC000  }
0x2c: {  	[spmem:s12] =	stream.linear.scatter [tilespmem:s19], [sflag:$0x3], $0x4000, $0x38;
	[tilespmem:$0xA900] =	vst v63  }
0x2d: {  	_ =	swait.ge [sflag:s20], $0x4000  }
0x2e: {  	[sflag:s20] =	ssyncset.done $0x0  }
0x2f: {  	[sflag:s20] =	ssyncadd.s32 $0xFFFFC000  }
0x30: {  	[spmem:s13] =	stream.linear.scatter [tilespmem:s19], [sflag:$0x3], $0x4000, $0x38;
	[tilespmem:$0xA900] =	vst v63  }
0x31: {  	_ =	swait.ge [sflag:s20], $0x4000  }
0x32: {  	[sflag:s20] =	ssyncset.done $0x0  }
0x33: {  	[sflag:s20] =	ssyncadd.s32 $0xFFFFC000  }
0x34: {  	[bflag:$0x0] =	sbarrier.arrive $0xFFFF  }
0x35: {  	[tilespmem:s21], [sflag:$0x1] =	stream.linear.gather [hbm4b:s5+s3], $0x80, $0x38;
	[tilespmem:$0xA900] =	vst v63  }
0x36: {  	s9 =	rddreg [dreg:$0x3]  }
0x37: {  	[tilespmem:s26], [sflag:$0x2] =	stream.linear.gather [hbm4b:s9+s3], $0x80, $0x38;
	[tilespmem:$0xA900] =	vst v63  }
0x38: {  	_ =	swait.ge [sflag:s28], $0x80  }
0x39: {  	[sflag:s28] =	ssyncset.done $0x0  }
0x3a: {  	s10 =	simm.s32 $0x20;
	s0 =	sadd.s32 $0x30, s18;
	[sflag:s28] =	ssyncadd.s32 $0xFFFFFF80  }
0x3b: {  	[spmem:s2] =	stream.indirect.scatter.add.f32 [tilespmem:s30], [sflag:$0x3], $0x10, s21, s29, $0xb8;
	[tilespmem:$0xA900] =	vst v63  }
0x3c: {  	s7 =	sand.u32 $0x60, s10;
	s8 =	sadd.s32 $0xFFFFFFF0, s0;
	_ =	swait.ge [sflag:s20], $0x800  }
0x3d: {  	s7 =	sadd.s32 s4, s7;
	s8 =	sand.u32 $0xFFFFF80, s8;
	[sflag:s20] =	ssyncset.done $0x0  }
0x3e: {  	s7 =	sadd.s32 s8, s7;
	[sflag:s20] =	ssyncadd.s32 $0xFFFFF800  }
0x3f: {  	[tilespmem:s21], [sflag:$0x1] =	stream.linear.gather [hbm4b:s7+s3], $0x80, $0x38;
	[tilespmem:$0xA900] =	vst v63  }
0x40: {  	_ =	swait.ge [sflag:s31], $0x80  }
0x41: {  	[sflag:s31] =	ssyncset.done $0x0  }
0x42: {  	s9 =	simm.s32 $0x30;
	[sflag:s31] =	ssyncadd.s32 $0xFFFFFF80  }
0x43: {  	[spmem:s2] =	stream.indirect.scatter.add.f32 [tilespmem:s30], [sflag:$0x3], $0x10, s26, s29, $0xb8;
	[tilespmem:$0xA900] =	vst v63  }
0x44: {  	s7 =	sand.u32 $0x70, s9;
	_ =	swait.ge [sflag:s20], $0x800  }
0x45: {  	s10 =	sand.u32 $0xFFFFF80, s0;
	s7 =	sadd.s32 s4, s7;
	[sflag:s20] =	ssyncset.done $0x0  }
0x46: {  	s0 =	simm.s32 $0x50;
	s7 =	sadd.s32 s10, s7;
	[sflag:s20] =	ssyncadd.s32 $0xFFFFF800  }
.LBB2_4:
0x47: {  	[tilespmem:s26], [sflag:$0x2] =	stream.linear.gather [hbm4b:s7+s3], $0x80, $0x38;
	[tilespmem:$0xA900] =	vst v63  }
0x48: {  	s7 =	smov.u32 s0  }
0x49: {  	p0 =	sne.s32 s0, $0x4F0;
	s0 =	sadd.s32 $0x20, s0;
	_ =	swait.ge [sflag:s28], $0x80  }
0x4a: {  	[sflag:s28] =	ssyncset.done $0x0  }
0x4b: {  	s8 =	sadd.s32 s7, s18;
	s9 =	sadd.s32 $0xFFFFFFF0, s7;
	[sflag:s28] =	ssyncadd.s32 $0xFFFFFF80  }
0x4c: {  	[spmem:s2] =	stream.indirect.scatter.add.f32 [tilespmem:s30], [sflag:$0x3], $0x10, s21, s29, $0xb8;
	[tilespmem:$0xA900] =	vst v63  }
0x4d: {  	s10 =	sadd.s32 $0xFFFFFFF0, s8;
	s9 =	sand.u32 $0x60, s9;
	_ =	swait.ge [sflag:s20], $0x800  }
0x4e: {  	s10 =	sand.u32 $0xFFFFF80, s10;
	s9 =	sadd.s32 s4, s9;
	[sflag:s20] =	ssyncset.done $0x0  }
0x4f: {  	s8 =	sand.u32 $0xFFFFF80, s8;
	s9 =	sadd.s32 s10, s9;
	[sflag:s20] =	ssyncadd.s32 $0xFFFFF800  }
0x50: {  	[tilespmem:s21], [sflag:$0x1] =	stream.linear.gather [hbm4b:s9+s3], $0x80, $0x38;
	[tilespmem:$0xA900] =	vst v63  }
0x51: {  	_ =	swait.ge [sflag:s31], $0x80  }
0x52: {  	[sflag:s31] =	ssyncset.done $0x0  }
.Ltmp1:
0x53: {  	[sflag:s31] =	ssyncadd.s32 $0xFFFFFF80;
	(pc) =	sbr.rel @p0 .LBB2_4-.Ltmp1, $4  }
0x54: {  	[spmem:s2] =	stream.indirect.scatter.add.f32 [tilespmem:s30], [sflag:$0x3], $0x10, s26, s29, $0xb8;
	[tilespmem:$0xA900] =	vst v63  }
0x55: {  	s7 =	sand.u32 $0x70, s7;
	_ =	swait.ge [sflag:s20], $0x800  }
0x56: {  	s7 =	sadd.s32 s4, s7;
	[sflag:s20] =	ssyncset.done $0x0  }
0x57: {  	s7 =	sadd.s32 s8, s7;
	[sflag:s20] =	ssyncadd.s32 $0xFFFFF800  }
0x58: {  	[tilespmem:s26], [sflag:$0x2] =	stream.linear.gather [hbm4b:s7+s3], $0x80, $0x38;
	[tilespmem:$0xA900] =	vst v63  }
0x59: {  	_ =	swait.ge [sflag:s28], $0x80  }
0x5a: {  	[sflag:s28] =	ssyncset.done $0x0  }
0x5b: {  	[sflag:s28] =	ssyncadd.s32 $0xFFFFFF80  }
0x5c: {  	[spmem:s2] =	stream.indirect.scatter.add.f32 [tilespmem:s30], [sflag:$0x3], $0x10, s21, s29, $0xb8;
	[tilespmem:$0xA900] =	vst v63  }
0x5d: {  	_ =	swait.ge [sflag:s20], $0x800  }
0x5e: {  	[sflag:s20] =	ssyncset.done $0x0  }
0x5f: {  	[sflag:s20] =	ssyncadd.s32 $0xFFFFF800  }
0x60: {  	_ =	swait.ge [sflag:s31], $0x80  }
0x61: {  	[sflag:s31] =	ssyncset.done $0x0  }
0x62: {  	[sflag:s31] =	ssyncadd.s32 $0xFFFFFF80  }
0x63: {  	[spmem:s2] =	stream.indirect.scatter.add.f32 [tilespmem:s30], [sflag:$0x3], $0x10, s26, s29, $0xb8;
	[tilespmem:$0xA900] =	vst v63  }
0x64: {  	_ =	swait.ge [sflag:s20], $0x800  }
0x65: {  	[sflag:s20] =	ssyncset.done $0x0  }
0x66: {  	s0 =	stileid.u32;
	[sflag:s20] =	ssyncadd.s32 $0xFFFFF800  }
0x67: {  	s0 =	sshll.u32 s0, $0x6;
	[bflag:$0x0] =	sbarrier.arrive $0xFFFF  }
0x68: {  	s9 =	sshrl.u32 s6, $0x3;
	s0 =	sor.u32 $0x1C03, s0;
	s8 =	rddreg [dreg:$0x4]  }
0x69: {  	[hbm:s8], [sflag:s0] =	dma.local [spmem:s9], $0x800  }
0x6a: {  	_ =	swait.ge [sflag:s20], $0x800  }
0x6b: {  	[sflag:s20] =	ssyncset.done $0x0  }
0x6c: {  	[sflag:s20] =	ssyncadd.s32 $0xFFFFF800  }
0x6d: {  	[hbm:s14], [sflag:s0] =	dma.local [spmem:s22], $0x800  }
0x6e: {  	_ =	swait.ge [sflag:s20], $0x800  }
0x6f: {  	[sflag:s20] =	ssyncset.done $0x0  }
0x70: {  	[sflag:s20] =	ssyncadd.s32 $0xFFFFF800  }
0x71: {  	[hbm:s15], [sflag:s0] =	dma.local [spmem:s23], $0x800  }
0x72: {  	_ =	swait.ge [sflag:s20], $0x800  }
0x73: {  	[sflag:s20] =	ssyncset.done $0x0  }
0x74: {  	[sflag:s20] =	ssyncadd.s32 $0xFFFFF800  }
0x75: {  	[hbm:s16], [sflag:s0] =	dma.local [spmem:s24], $0x800  }
0x76: {  	_ =	swait.ge [sflag:s20], $0x800  }
0x77: {  	[sflag:s20] =	ssyncset.done $0x0  }
0x78: {  	[sflag:s20] =	ssyncadd.s32 $0xFFFFF800  }
0x79: {  	[hbm:s17], [sflag:s0] =	dma.local [spmem:s25], $0x800  }
0x7a: {  	_ =	swait.ge [sflag:s20], $0x800  }
0x7b: {  	s1 =	sadd.s32 $0x1, s1;
	s10 =	rddreg [dreg:$0x5]  }
0x7c: {  	p0 =	sne.s32 s1, s10  }
.Ltmp2:
0x7d: {  	_ = 	snop;
	(pc) =	sbr.rel @p0 .LBB2_1-.Ltmp2, $3  }
0x7e: {  	_ =	sdelay $0x1  }
0x7f: {  	[sflag:s20] =	ssyncset.done $0x0  }
0x80: {  	[sflag:s20] =	ssyncadd.s32 $0xFFFFF800  }
0x81: {  	_ =	sfence.sel $0x180000  }
0x82: {  	[bflag:$0x0] =	sbarrier.arrive $0xFFFF  }
0x83: {  	_ =	strace $0x90000047  }
0x84: {  	s0 =	stileid.u32;
	[bflag:$0x2] =	sbarrier.arrive $0xFFFF  }
0x85: {  	p0 =	sne.s32 s0, $0x0;
	s0 =	rddreg [dreg:$0x2]  }
0x86: {  	s0 =	sadd.s32 @!p0 $0x100000, s0  }
0x87: {  	[sflag:s0] =	ssyncadd.tile.s32 @!p0 $0x1;
	_ =	shalt  }
.Lfunc_end2:
_tile_overlayer_lowered:
.L_overlay_start_2:
0x88: {  	(tag) =	ssettag $0x2  }
0x89: {  	s0 =	rddreg [dreg:$0x0];
	s2 =	stileid.u32  }
0x8a: {  	s1 =	rddreg [dreg:$0x1];
	p0 =	sne.s32 s2, $0x0  }
0x8b: {  	s3 =	rddreg [dreg:$0x2];
	[bflag:$0x3] =	sbarrier.arrive $0xFFFF;
	s2 =	simm.s32 @!p0 $0x1C03  }
0x8c: {  	[timem:s3], [sflag:s2] =	dma.local @!p0 [hbm:s0], s1  }
0x8d: {  	s0 =	simm.s32 @!p0 $0x3  }
0x8e: {  	_ =	swait.ge @!p0 [sflag:s0], s1  }
0x8f: {  	s1 =	ssub.s32 @!p0 $0x0, s1;
	[sflag:s0] =	ssyncset.done @!p0 $0x0  }
0x90: {  	[sflag:s0] =	ssyncadd.s32 @!p0 s1  }
0x91: {  	[bflag:$0x3] =	sbarrier.arrive $0xFFFF  }
0x92: {  	_ =	shalt  }

</sc_bundles>
